<compile_context>
chip_gen: v7x
topology: tpu7x:2x2x1
jax: 0.10.2.dev20260603
libtpu: 0.0.44.dev20260713+nightly
codegen_flags: <defaults>
</compile_context>

<pallas_src>
import functools

import jax
import jax.numpy as jnp
from jax import lax
from jax.experimental import pallas as pl
from jax.experimental.pallas import tpu as pltpu
from jax.experimental.pallas import tpu_sc as plsc

N_NODES = 100_000
N_EDGES = 6_400_000
TABLE_ROWS = 576
NUM_WORKERS = 32
CHUNK = 2_048
NUM_CHUNKS = N_EDGES // CHUNK
SLOTS = 99
NBUF = 3
L = 16
NACC = 4
UNROLL = 4


def _sc_graph_counter(node_type, edge_type, edge_index, w_flat):
    mesh = plsc.VectorSubcoreMesh(core_axis_name="c", subcore_axis_name="s")

    @functools.partial(
        pl.kernel,
        mesh=mesh,
        out_type=jax.ShapeDtypeStruct((NUM_WORKERS, L), jnp.float32),
        compiler_params=pltpu.CompilerParams(needs_layout_passes=False),
        scratch_types=[
            pltpu.VMEM((N_NODES,), jnp.int32),
            pltpu.VMEM((TABLE_ROWS,), jnp.float32),
            *([pltpu.VMEM((CHUNK,), jnp.int32)] * NBUF),
            *([pltpu.VMEM((2, CHUNK), jnp.int32)] * NBUF),
            pltpu.VMEM((L,), jnp.float32),
            pltpu.VMEM_SHARED((N_NODES,), jnp.int32),
            *([pltpu.SemaphoreType.DMA] * NBUF),
        ],
    )
    def k(nt_hbm, et_hbm, ei_hbm, w_hbm, out_hbm, nt_v, w_v, *rest):
        et_bufs = rest[:NBUF]
        sd_bufs = rest[NBUF:2 * NBUF]
        acc_v = rest[2 * NBUF]
        nt_sp = rest[2 * NBUF + 1]
        sems = rest[2 * NBUF + 2:]
        bufs = tuple(zip(et_bufs, sd_bufs))
        sid = lax.axis_index("s")
        wid = sid * 2 + lax.axis_index("c")

        def chunk_id(slot):
            return jnp.minimum(wid + slot * NUM_WORKERS, NUM_CHUNKS - 1)

        def start(slot, b):
            base = chunk_id(slot) * CHUNK
            et_b, sd_b = bufs[b]
            pltpu.async_copy(et_hbm.at[pl.ds(base, CHUNK)], et_b, sems[b])
            pltpu.async_copy(ei_hbm.at[:, pl.ds(base, CHUNK)], sd_b, sems[b])

        def wait(b):
            et_b, sd_b = bufs[b]
            pltpu.make_async_copy(et_hbm.at[pl.ds(0, CHUNK)], et_b,
                                  sems[b]).wait()
            pltpu.make_async_copy(ei_hbm.at[:, pl.ds(0, CHUNK)], sd_b,
                                  sems[b]).wait()

        lane = lax.iota(jnp.int32, L)

        def compute(slot, b, accs):
            et_b, sd_b = bufs[b]
            valid = (chunk_id(slot) == wid + slot * NUM_WORKERS)
            vmask = jnp.where(valid, 1.0, 0.0).astype(jnp.float32)
            vmask = jnp.broadcast_to(vmask, (L,))

            def vbody(i, accs):
                out = []
                for u in range(NACC):
                    j = i * NACC + u
                    sl = pl.ds(j * L, L)
                    col = j * L + lane
                    et = et_b[sl]
                    s = plsc.load_gather(sd_b, [jnp.zeros((L,), jnp.int32),
                                                col])
                    d = plsc.load_gather(sd_b, [jnp.ones((L,), jnp.int32),
                                                col])
                    a = plsc.load_gather(nt_v, [s])
                    bb = plsc.load_gather(nt_v, [d])
                    enc = et * 9 + a * 3 + bb
                    wv = plsc.load_gather(w_v, [enc])
                    out.append(accs[u] + wv * vmask)
                return tuple(out)

            return plsc.parallel_loop(
                0, (CHUNK // L) // NACC, carry=accs, unroll=UNROLL)(vbody)

        for b in range(NBUF):
            start(b, b)

        @pl.when(sid == 0)
        def _():
            pltpu.sync_copy(nt_hbm, nt_sp)
        plsc.subcore_barrier()
        pltpu.sync_copy(nt_sp, nt_v)
        pltpu.sync_copy(w_hbm, w_v)

        def ring_body(kk, accs):
            slot = kk * NBUF
            for b in range(NBUF):
                wait(b)
                accs = compute(slot + b, b, accs)
                start(slot + b + NBUF, b)
            return accs

        zero = jnp.zeros((L,), jnp.float32)
        accs = lax.fori_loop(0, SLOTS // NBUF, ring_body, (zero,) * NACC)
        for b in range(NBUF):
            wait(b)
        acc = accs[0]
        for u in range(1, NACC):
            acc = acc + accs[u]
        acc_v[...] = acc
        pltpu.sync_copy(acc_v, out_hbm.at[wid])

    return k(node_type, edge_type, edge_index, w_flat)


def kernel(node_type, edge_type, edge_index, scorer_weight):
    w_flat = scorer_weight.reshape(TABLE_ROWS)
    partials = _sc_graph_counter(node_type, edge_type, edge_index, w_flat)
    return jnp.sum(partials).reshape(1, 1)

# --- scband reference (transcript-rebuilt; emitter-appended) ---
"""Pipeline reference for scband-graph-hard-counter-40020505264198 (READ-ONLY COPY).

The authoritative reference and input builder live on the scoring server;
editing this copy changes nothing except your own understanding.
"""

import jax, jax.numpy as jnp
import numpy as np

N_NODES = 100000
N_EDGES = 6400000
NUM_RELS = 64
TABLE_ROWS = NUM_RELS * 3 * 3


def setup_inputs(seed: int = 0) -> dict:
    key = jax.random.key(seed)
    k1, k2, k3, k4 = jax.random.split(key, 4)
    node_type = jax.random.randint(k1, (N_NODES,), 0, 3, dtype=jnp.int32)
    edge_type = jax.random.randint(k2, (N_EDGES,), 0, NUM_RELS, dtype=jnp.int32)
    edge_index = jax.random.randint(k3, (2, N_EDGES), 0, N_NODES, dtype=jnp.int32)
    scorer_weight = jax.random.normal(k4, (TABLE_ROWS, 1), dtype=jnp.float32)
    return {
        'node_type': node_type,
        'edge_type': edge_type,
        'edge_index': edge_index,
        'scorer_weight': scorer_weight,
    }


def reference(node_type, edge_type, edge_index, scorer_weight):
    # Faithful translation of GraphHardCounter.forward for a batch of 1 graph.
    # edge_enc[i] = edge_type[i] * 3*3 + node_type[src_i] * 3 + node_type[dst_i]
    src = edge_index[0]
    dst = edge_index[1]
    edge_enc = edge_type * 9 + jnp.take(node_type, src) * 3 + jnp.take(node_type, dst)
    # Embedding lookup (gather) into the [num_rels*9, 1] scorer table, then sum.
    scores = jnp.take(scorer_weight, edge_enc, axis=0)  # [E, 1]
    graph_score = jnp.sum(scores)
    # Original: torch.stack([score(g) for g in graphs]) with score returning [scalar]
    # -> shape [num_graphs, 1]; here num_graphs = 1.
    return graph_score.reshape(1, 1)

if __name__ == "__main__":
    import jax
    _d = setup_inputs()
    print(jax.jit(kernel)(*tuple(_d.values())))

</pallas_src>

<mosaic_0001>
#map = affine_map<(d0, d1) -> (0)>
#map1 = affine_map<(d0, d1) -> (0, 0)>
module attributes {stable_mosaic.version = 14 : i64} {
  func.func @k(%arg0: i32, %arg1: i32, %arg2: memref<100000xi32, #tpu.memory_space<hbm>>, %arg3: memref<6400000xi32, #tpu.memory_space<hbm>>, %arg4: memref<2x6400000xi32, #tpu.memory_space<hbm>>, %arg5: memref<576xf32, #tpu.memory_space<hbm>>, %arg6: memref<32x16xf32, #tpu.memory_space<hbm>>, %arg7: memref<100000xi32, #tpu.memory_space<vmem>>, %arg8: memref<576xf32, #tpu.memory_space<vmem>>, %arg9: memref<2048xi32, #tpu.memory_space<vmem>>, %arg10: memref<2048xi32, #tpu.memory_space<vmem>>, %arg11: memref<2048xi32, #tpu.memory_space<vmem>>, %arg12: memref<2x2048xi32, #tpu.memory_space<vmem>>, %arg13: memref<2x2048xi32, #tpu.memory_space<vmem>>, %arg14: memref<2x2048xi32, #tpu.memory_space<vmem>>, %arg15: memref<16xf32, #tpu.memory_space<vmem>>, %arg16: memref<100000xi32, #tpu.memory_space<vmem_shared>>, %arg17: memref<!tpu.dma_semaphore, #tpu.memory_space<semaphore_mem>>, %arg18: memref<!tpu.dma_semaphore, #tpu.memory_space<semaphore_mem>>, %arg19: memref<!tpu.dma_semaphore, #tpu.memory_space<semaphore_mem>>) attributes {dimension_semantics = [#tpu.dimension_semantics<core_parallel>, #tpu.dimension_semantics<subcore_parallel>], iteration_bounds = array<i64: 2, 16>, scalar_prefetch = 0 : i64, scratch_operands = 13 : i64, tpu.core_type = #tpu.core_type<sc_vector_subcore>, window_params = [{transform_indices = #map}, {transform_indices = #map}, {transform_indices = #map1}, {transform_indices = #map}, {transform_indices = #map1}]} {
    %mul3A = arith.constant 2 : i32
    %mul3A_0 = arith.muli %arg1, %mul3A : i32
    %add3A = arith.addi %mul3A_0, %arg0 : i32
    %iota3A = tpu.iota {dimensions = array<i32: 0>} : vector<16xi32>
    %add3A_1 = arith.constant 0 : i32
    %add3A_2 = arith.addi %add3A, %add3A_1 : i32
    %min3A = arith.constant 3124 : i32
    %min3A_3 = arith.minsi %add3A_2, %min3A : i32
    %mul3A_4 = arith.constant 2048 : i32
    %mul3A_5 = arith.muli %min3A_3, %mul3A_4 : i32
    %dma_start3A = tpu.memref_slice %arg3[%mul3A_5] : memref<6400000xi32, #tpu.memory_space<hbm>> -> memref<2048xi32, #tpu.memory_space<hbm>>
    %dma_start3A_6 = tpu.memref_slice %arg3[%mul3A_5] : memref<6400000xi32, #tpu.memory_space<hbm>> -> memref<2048xi32, #tpu.memory_space<hbm>>
    tpu.enqueue_dma source(%dma_start3A_6 : memref<2048xi32, #tpu.memory_space<hbm>>) target(%arg9 : memref<2048xi32, #tpu.memory_space<vmem>>) target_semaphore(%arg17 : memref<!tpu.dma_semaphore, #tpu.memory_space<semaphore_mem>>)
    %dma_start3A_7 = arith.constant 0 : i32
    %dma_start3A_8 = tpu.memref_slice %arg4[%dma_start3A_7, %mul3A_5] : memref<2x6400000xi32, #tpu.memory_space<hbm>> -> memref<2x2048xi32, #tpu.memory_space<hbm>>
    %dma_start3A_9 = arith.constant 0 : i32
    %dma_start3A_10 = tpu.memref_slice %arg4[%dma_start3A_9, %mul3A_5] : memref<2x6400000xi32, #tpu.memory_space<hbm>> -> memref<2x2048xi32, #tpu.memory_space<hbm>>
    tpu.enqueue_dma source(%dma_start3A_10 : memref<2x2048xi32, #tpu.memory_space<hbm>>) target(%arg12 : memref<2x2048xi32, #tpu.memory_space<vmem>>) target_semaphore(%arg17 : memref<!tpu.dma_semaphore, #tpu.memory_space<semaphore_mem>>)
    %add3A_11 = arith.constant 32 : i32
    %add3A_12 = arith.addi %add3A, %add3A_11 : i32
    %min3A_13 = arith.constant 3124 : i32
    %min3A_14 = arith.minsi %add3A_12, %min3A_13 : i32
    %mul3A_15 = arith.constant 2048 : i32
    %mul3A_16 = arith.muli %min3A_14, %mul3A_15 : i32
    %dma_start3A_17 = tpu.memref_slice %arg3[%mul3A_16] : memref<6400000xi32, #tpu.memory_space<hbm>> -> memref<2048xi32, #tpu.memory_space<hbm>>
    %dma_start3A_18 = tpu.memref_slice %arg3[%mul3A_16] : memref<6400000xi32, #tpu.memory_space<hbm>> -> memref<2048xi32, #tpu.memory_space<hbm>>
    tpu.enqueue_dma source(%dma_start3A_18 : memref<2048xi32, #tpu.memory_space<hbm>>) target(%arg10 : memref<2048xi32, #tpu.memory_space<vmem>>) target_semaphore(%arg18 : memref<!tpu.dma_semaphore, #tpu.memory_space<semaphore_mem>>)
    %dma_start3A_19 = arith.constant 0 : i32
    %dma_start3A_20 = tpu.memref_slice %arg4[%dma_start3A_19, %mul3A_16] : memref<2x6400000xi32, #tpu.memory_space<hbm>> -> memref<2x2048xi32, #tpu.memory_space<hbm>>
    %dma_start3A_21 = arith.constant 0 : i32
    %dma_start3A_22 = tpu.memref_slice %arg4[%dma_start3A_21, %mul3A_16] : memref<2x6400000xi32, #tpu.memory_space<hbm>> -> memref<2x2048xi32, #tpu.memory_space<hbm>>
    tpu.enqueue_dma source(%dma_start3A_22 : memref<2x2048xi32, #tpu.memory_space<hbm>>) target(%arg13 : memref<2x2048xi32, #tpu.memory_space<vmem>>) target_semaphore(%arg18 : memref<!tpu.dma_semaphore, #tpu.memory_space<semaphore_mem>>)
    %add3A_23 = arith.constant 64 : i32
    %add3A_24 = arith.addi %add3A, %add3A_23 : i32
    %min3A_25 = arith.constant 3124 : i32
    %min3A_26 = arith.minsi %add3A_24, %min3A_25 : i32
    %mul3A_27 = arith.constant 2048 : i32
    %mul3A_28 = arith.muli %min3A_26, %mul3A_27 : i32
    %dma_start3A_29 = tpu.memref_slice %arg3[%mul3A_28] : memref<6400000xi32, #tpu.memory_space<hbm>> -> memref<2048xi32, #tpu.memory_space<hbm>>
    %dma_start3A_30 = tpu.memref_slice %arg3[%mul3A_28] : memref<6400000xi32, #tpu.memory_space<hbm>> -> memref<2048xi32, #tpu.memory_space<hbm>>
    tpu.enqueue_dma source(%dma_start3A_30 : memref<2048xi32, #tpu.memory_space<hbm>>) target(%arg11 : memref<2048xi32, #tpu.memory_space<vmem>>) target_semaphore(%arg19 : memref<!tpu.dma_semaphore, #tpu.memory_space<semaphore_mem>>)
    %dma_start3A_31 = arith.constant 0 : i32
    %dma_start3A_32 = tpu.memref_slice %arg4[%dma_start3A_31, %mul3A_28] : memref<2x6400000xi32, #tpu.memory_space<hbm>> -> memref<2x2048xi32, #tpu.memory_space<hbm>>
    %dma_start3A_33 = arith.constant 0 : i32
    %dma_start3A_34 = tpu.memref_slice %arg4[%dma_start3A_33, %mul3A_28] : memref<2x6400000xi32, #tpu.memory_space<hbm>> -> memref<2x2048xi32, #tpu.memory_space<hbm>>
    tpu.enqueue_dma source(%dma_start3A_34 : memref<2x2048xi32, #tpu.memory_space<hbm>>) target(%arg14 : memref<2x2048xi32, #tpu.memory_space<vmem>>) target_semaphore(%arg19 : memref<!tpu.dma_semaphore, #tpu.memory_space<semaphore_mem>>)
    %eq3A = arith.constant 0 : i32
    %eq3A_35 = arith.cmpi eq, %arg1, %eq3A : i32
    %convert_element_type3A = arith.extui %eq3A_35 : i1 to i32
    %cond3A = arith.constant 0 : i32
    %cond3A_36 = arith.cmpi ne, %convert_element_type3A, %cond3A : i32
    scf.if %cond3A_36 {
      "tpu.region"() ({
        %run_scoped3A = tpu.sem_alloc : memref<!tpu.dma_semaphore, #tpu.memory_space<semaphore_mem>>
        tpu.enqueue_dma source(%arg2 : memref<100000xi32, #tpu.memory_space<hbm>>) target(%arg16 : memref<100000xi32, #tpu.memory_space<vmem_shared>>) target_semaphore(%run_scoped3A : memref<!tpu.dma_semaphore, #tpu.memory_space<semaphore_mem>>)
        tpu.wait_dma2 semaphore(%run_scoped3A : memref<!tpu.dma_semaphore, #tpu.memory_space<semaphore_mem>>) src(%arg2 : memref<100000xi32, #tpu.memory_space<hbm>>) dst(%arg16 : memref<100000xi32, #tpu.memory_space<vmem_shared>>)
        tpu.yield
      }) : () -> ()
    } else {
    }
    %barrier3A = arith.constant 0 : index
    tpu.barrier barrier_id(%barrier3A)
    "tpu.region"() ({
      %run_scoped3A = tpu.sem_alloc : memref<!tpu.dma_semaphore, #tpu.memory_space<semaphore_mem>>
      tpu.enqueue_dma source(%arg16 : memref<100000xi32, #tpu.memory_space<vmem_shared>>) target(%arg7 : memref<100000xi32, #tpu.memory_space<vmem>>) target_semaphore(%run_scoped3A : memref<!tpu.dma_semaphore, #tpu.memory_space<semaphore_mem>>)
      tpu.wait_dma2 semaphore(%run_scoped3A : memref<!tpu.dma_semaphore, #tpu.memory_space<semaphore_mem>>) src(%arg16 : memref<100000xi32, #tpu.memory_space<vmem_shared>>) dst(%arg7 : memref<100000xi32, #tpu.memory_space<vmem>>)
      tpu.yield
    }) : () -> ()
    "tpu.region"() ({
      %run_scoped3A = tpu.sem_alloc : memref<!tpu.dma_semaphore, #tpu.memory_space<semaphore_mem>>
      tpu.enqueue_dma source(%arg5 : memref<576xf32, #tpu.memory_space<hbm>>) target(%arg8 : memref<576xf32, #tpu.memory_space<vmem>>) target_semaphore(%run_scoped3A : memref<!tpu.dma_semaphore, #tpu.memory_space<semaphore_mem>>)
      tpu.wait_dma2 semaphore(%run_scoped3A : memref<!tpu.dma_semaphore, #tpu.memory_space<semaphore_mem>>) src(%arg5 : memref<576xf32, #tpu.memory_space<hbm>>) dst(%arg8 : memref<576xf32, #tpu.memory_space<vmem>>)
      tpu.yield
    }) : () -> ()
    %broadcast_in_dim3A = arith.constant 0.000000e+00 : f32
    %broadcast_in_dim3A_37 = vector.broadcast %broadcast_in_dim3A : f32 to vector<16xf32>
    %scan3A = arith.constant 0 : i32
    %scan3A_38 = arith.constant 33 : i32
    %scan3A_39 = arith.addi %scan3A, %scan3A_38 : i32
    %scan3A_40 = arith.constant 1 : i32
    %scan3A_41:4 = scf.for %scan3A_76 = %scan3A to %scan3A_39 step %scan3A_40 iter_args(%scan3A_77 = %broadcast_in_dim3A_37, %scan3A_78 = %broadcast_in_dim3A_37, %scan3A_79 = %broadcast_in_dim3A_37, %scan3A_80 = %broadcast_in_dim3A_37) -> (vector<16xf32>, vector<16xf32>, vector<16xf32>, vector<16xf32>)  : i32 {
      %mul3A_81 = arith.constant 3 : i32
      %mul3A_82 = arith.muli %scan3A_76, %mul3A_81 : i32
      %dma_wait3A_83 = arith.constant 0 : i32
      %dma_wait3A_84 = tpu.memref_slice %arg3[%dma_wait3A_83] : memref<6400000xi32, #tpu.memory_space<hbm>> -> memref<2048xi32, #tpu.memory_space<hbm>>
      %dma_wait3A_85 = arith.constant 0 : i32
      %dma_wait3A_86 = tpu.memref_slice %arg3[%dma_wait3A_85] : memref<6400000xi32, #tpu.memory_space<hbm>> -> memref<2048xi32, #tpu.memory_space<hbm>>
      tpu.wait_dma2 semaphore(%arg17 : memref<!tpu.dma_semaphore, #tpu.memory_space<semaphore_mem>>) src(%dma_wait3A_86 : memref<2048xi32, #tpu.memory_space<hbm>>) dst(%arg9 : memref<2048xi32, #tpu.memory_space<vmem>>)
      %dma_wait3A_87 = arith.constant 0 : i32
      %dma_wait3A_88 = arith.constant 0 : i32
      %dma_wait3A_89 = tpu.memref_slice %arg4[%dma_wait3A_87, %dma_wait3A_88] : memref<2x6400000xi32, #tpu.memory_space<hbm>> -> memref<2x2048xi32, #tpu.memory_space<hbm>>
      %dma_wait3A_90 = arith.constant 0 : i32
      %dma_wait3A_91 = arith.constant 0 : i32
      %dma_wait3A_92 = tpu.memref_slice %arg4[%dma_wait3A_90, %dma_wait3A_91] : memref<2x6400000xi32, #tpu.memory_space<hbm>> -> memref<2x2048xi32, #tpu.memory_space<hbm>>
      tpu.wait_dma2 semaphore(%arg17 : memref<!tpu.dma_semaphore, #tpu.memory_space<semaphore_mem>>) src(%dma_wait3A_92 : memref<2x2048xi32, #tpu.memory_space<hbm>>) dst(%arg12 : memref<2x2048xi32, #tpu.memory_space<vmem>>)
      %add3A_93 = arith.constant 0 : i32
      %add3A_94 = arith.addi %mul3A_82, %add3A_93 : i32
      %mul3A_95 = arith.constant 32 : i32
      %mul3A_96 = arith.muli %add3A_94, %mul3A_95 : i32
      %add3A_97 = arith.addi %add3A, %mul3A_96 : i32
      %min3A_98 = arith.constant 3124 : i32
      %min3A_99 = arith.minsi %add3A_97, %min3A_98 : i32
      %mul3A_100 = arith.constant 32 : i32
      %mul3A_101 = arith.muli %add3A_94, %mul3A_100 : i32
      %add3A_102 = arith.addi %add3A, %mul3A_101 : i32
      %eq3A_103 = arith.cmpi eq, %min3A_99, %add3A_102 : i32
      %jit3A = arith.constant 1.000000e+00 : f32
      %jit3A_104 = arith.constant 0.000000e+00 : f32
      %select_n3A = arith.select %eq3A_103, %jit3A, %jit3A_104 : f32
      %broadcast_in_dim3A_105 = vector.broadcast %select_n3A : f32 to vector<16xf32>
      %parallel_loop3A = arith.constant 0 : i32
      %parallel_loop3A_106 = arith.constant 32 : i32
      %parallel_loop3A_107 = arith.constant 1 : i32
      %parallel_loop3A_108:4 = scf.for %parallel_loop3A_218 = %parallel_loop3A to %parallel_loop3A_106 step %parallel_loop3A_107 iter_args(%parallel_loop3A_219 = %scan3A_77, %parallel_loop3A_220 = %scan3A_78, %parallel_loop3A_221 = %scan3A_79, %parallel_loop3A_222 = %scan3A_80) -> (vector<16xf32>, vector<16xf32>, vector<16xf32>, vector<16xf32>)  : i32 {
        %parallel_loop3A_223 = arith.constant 4 : i32
        %parallel_loop3A_224 = arith.muli %parallel_loop3A_218, %parallel_loop3A_223 : i32
        %parallel_loop3A_225 = arith.constant 0 : i32
        %parallel_loop3A_226 = arith.addi %parallel_loop3A_224, %parallel_loop3A_225 : i32
        %parallel_loop3A_227 = arith.constant 16 : i32
        %parallel_loop3A_228 = arith.muli %parallel_loop3A_226, %parallel_loop3A_227 : i32
        %parallel_loop3A_229 = arith.constant 16 : i32
        %parallel_loop3A_230 = arith.muli %parallel_loop3A_226, %parallel_loop3A_229 : i32
        %parallel_loop3A_231 = vector.broadcast %parallel_loop3A_230 : i32 to vector<16xi32>
        %parallel_loop3A_232 = arith.addi %parallel_loop3A_231, %iota3A : vector<16xi32>
        %parallel_loop3A_233 = arith.index_cast %parallel_loop3A_228 : i32 to index
        %parallel_loop3A_234 = tpu.vector_load %arg9[%parallel_loop3A_233] {strides = array<i32>} : memref<2048xi32, #tpu.memory_space<vmem>>, vector<16xi32>,
        %parallel_loop3A_235 = arith.constant 0 : i32
        %parallel_loop3A_236 = vector.broadcast %parallel_loop3A_235 : i32 to vector<16xi32>
        %parallel_loop3A_237 = tpu.vector_load_idx %arg12[%parallel_loop3A_236, %parallel_loop3A_232] : memref<2x2048xi32, #tpu.memory_space<vmem>>[vector<16xi32>, vector<16xi32>], vector<16xi32>,
        %parallel_loop3A_238 = arith.constant 1 : i32
        %parallel_loop3A_239 = vector.broadcast %parallel_loop3A_238 : i32 to vector<16xi32>
        %parallel_loop3A_240 = tpu.vector_load_idx %arg12[%parallel_loop3A_239, %parallel_loop3A_232] : memref<2x2048xi32, #tpu.memory_space<vmem>>[vector<16xi32>, vector<16xi32>], vector<16xi32>,
        %parallel_loop3A_241 = tpu.vector_load_idx %arg7[%parallel_loop3A_237] : memref<100000xi32, #tpu.memory_space<vmem>>[vector<16xi32>], vector<16xi32>,
        %parallel_loop3A_242 = tpu.vector_load_idx %arg7[%parallel_loop3A_240] : memref<100000xi32, #tpu.memory_space<vmem>>[vector<16xi32>], vector<16xi32>,
        %parallel_loop3A_243 = arith.constant 9 : i32
        %parallel_loop3A_244 = vector.broadcast %parallel_loop3A_243 : i32 to vector<16xi32>
        %parallel_loop3A_245 = arith.muli %parallel_loop3A_234, %parallel_loop3A_244 : vector<16xi32>
        %parallel_loop3A_246 = arith.constant 3 : i32
        %parallel_loop3A_247 = vector.broadcast %parallel_loop3A_246 : i32 to vector<16xi32>
        %parallel_loop3A_248 = arith.muli %parallel_loop3A_241, %parallel_loop3A_247 : vector<16xi32>
        %parallel_loop3A_249 = arith.addi %parallel_loop3A_245, %parallel_loop3A_248 : vector<16xi32>
        %parallel_loop3A_250 = arith.addi %parallel_loop3A_249, %parallel_loop3A_242 : vector<16xi32>
        %parallel_loop3A_251 = tpu.vector_load_idx %arg8[%parallel_loop3A_250] : memref<576xf32, #tpu.memory_space<vmem>>[vector<16xi32>], vector<16xf32>,
        %parallel_loop3A_252 = arith.mulf %parallel_loop3A_251, %broadcast_in_dim3A_105 : vector<16xf32>
        %parallel_loop3A_253 = arith.addf %parallel_loop3A_219, %parallel_loop3A_252 : vector<16xf32>
        %parallel_loop3A_254 = arith.constant 4 : i32
        %parallel_loop3A_255 = arith.muli %parallel_loop3A_218, %parallel_loop3A_254 : i32
        %parallel_loop3A_256 = arith.constant 1 : i32
        %parallel_loop3A_257 = arith.addi %parallel_loop3A_255, %parallel_loop3A_256 : i32
        %parallel_loop3A_258 = arith.constant 16 : i32
        %parallel_loop3A_259 = arith.muli %parallel_loop3A_257, %parallel_loop3A_258 : i32
        %parallel_loop3A_260 = arith.constant 16 : i32
        %parallel_loop3A_261 = arith.muli %parallel_loop3A_257, %parallel_loop3A_260 : i32
        %parallel_loop3A_262 = vector.broadcast %parallel_loop3A_261 : i32 to vector<16xi32>
        %parallel_loop3A_263 = arith.addi %parallel_loop3A_262, %iota3A : vector<16xi32>
        %parallel_loop3A_264 = arith.index_cast %parallel_loop3A_259 : i32 to index
        %parallel_loop3A_265 = tpu.vector_load %arg9[%parallel_loop3A_264] {strides = array<i32>} : memref<2048xi32, #tpu.memory_space<vmem>>, vector<16xi32>,
        %parallel_loop3A_266 = arith.constant 0 : i32
        %parallel_loop3A_267 = vector.broadcast %parallel_loop3A_266 : i32 to vector<16xi32>
        %parallel_loop3A_268 = tpu.vector_load_idx %arg12[%parallel_loop3A_267, %parallel_loop3A_263] : memref<2x2048xi32, #tpu.memory_space<vmem>>[vector<16xi32>, vector<16xi32>], vector<16xi32>,
        %parallel_loop3A_269 = arith.constant 1 : i32
        %parallel_loop3A_270 = vector.broadcast %parallel_loop3A_269 : i32 to vector<16xi32>
        %parallel_loop3A_271 = tpu.vector_load_idx %arg12[%parallel_loop3A_270, %parallel_loop3A_263] : memref<2x2048xi32, #tpu.memory_space<vmem>>[vector<16xi32>, vector<16xi32>], vector<16xi32>,
        %parallel_loop3A_272 = tpu.vector_load_idx %arg7[%parallel_loop3A_268] : memref<100000xi32, #tpu.memory_space<vmem>>[vector<16xi32>], vector<16xi32>,
        %parallel_loop3A_273 = tpu.vector_load_idx %arg7[%parallel_loop3A_271] : memref<100000xi32, #tpu.memory_space<vmem>>[vector<16xi32>], vector<16xi32>,
        %parallel_loop3A_274 = arith.constant 9 : i32
        %parallel_loop3A_275 = vector.broadcast %parallel_loop3A_274 : i32 to vector<16xi32>
        %parallel_loop3A_276 = arith.muli %parallel_loop3A_265, %parallel_loop3A_275 : vector<16xi32>
        %parallel_loop3A_277 = arith.constant 3 : i32
        %parallel_loop3A_278 = vector.broadcast %parallel_loop3A_277 : i32 to vector<16xi32>
        %parallel_loop3A_279 = arith.muli %parallel_loop3A_272, %parallel_loop3A_278 : vector<16xi32>
        %parallel_loop3A_280 = arith.addi %parallel_loop3A_276, %parallel_loop3A_279 : vector<16xi32>
        %parallel_loop3A_281 = arith.addi %parallel_loop3A_280, %parallel_loop3A_273 : vector<16xi32>
        %parallel_loop3A_282 = tpu.vector_load_idx %arg8[%parallel_loop3A_281] : memref<576xf32, #tpu.memory_space<vmem>>[vector<16xi32>], vector<16xf32>,
        %parallel_loop3A_283 = arith.mulf %parallel_loop3A_282, %broadcast_in_dim3A_105 : vector<16xf32>
        %parallel_loop3A_284 = arith.addf %parallel_loop3A_220, %parallel_loop3A_283 : vector<16xf32>
        %parallel_loop3A_285 = arith.constant 4 : i32
        %parallel_loop3A_286 = arith.muli %parallel_loop3A_218, %parallel_loop3A_285 : i32
        %parallel_loop3A_287 = arith.constant 2 : i32
        %parallel_loop3A_288 = arith.addi %parallel_loop3A_286, %parallel_loop3A_287 : i32
        %parallel_loop3A_289 = arith.constant 16 : i32
        %parallel_loop3A_290 = arith.muli %parallel_loop3A_288, %parallel_loop3A_289 : i32
        %parallel_loop3A_291 = arith.constant 16 : i32
        %parallel_loop3A_292 = arith.muli %parallel_loop3A_288, %parallel_loop3A_291 : i32
        %parallel_loop3A_293 = vector.broadcast %parallel_loop3A_292 : i32 to vector<16xi32>
        %parallel_loop3A_294 = arith.addi %parallel_loop3A_293, %iota3A : vector<16xi32>
        %parallel_loop3A_295 = arith.index_cast %parallel_loop3A_290 : i32 to index
        %parallel_loop3A_296 = tpu.vector_load %arg9[%parallel_loop3A_295] {strides = array<i32>} : memref<2048xi32, #tpu.memory_space<vmem>>, vector<16xi32>,
        %parallel_loop3A_297 = arith.constant 0 : i32
        %parallel_loop3A_298 = vector.broadcast %parallel_loop3A_297 : i32 to vector<16xi32>
        %parallel_loop3A_299 = tpu.vector_load_idx %arg12[%parallel_loop3A_298, %parallel_loop3A_294] : memref<2x2048xi32, #tpu.memory_space<vmem>>[vector<16xi32>, vector<16xi32>], vector<16xi32>,
        %parallel_loop3A_300 = arith.constant 1 : i32
        %parallel_loop3A_301 = vector.broadcast %parallel_loop3A_300 : i32 to vector<16xi32>
        %parallel_loop3A_302 = tpu.vector_load_idx %arg12[%parallel_loop3A_301, %parallel_loop3A_294] : memref<2x2048xi32, #tpu.memory_space<vmem>>[vector<16xi32>, vector<16xi32>], vector<16xi32>,
        %parallel_loop3A_303 = tpu.vector_load_idx %arg7[%parallel_loop3A_299] : memref<100000xi32, #tpu.memory_space<vmem>>[vector<16xi32>], vector<16xi32>,
        %parallel_loop3A_304 = tpu.vector_load_idx %arg7[%parallel_loop3A_302] : memref<100000xi32, #tpu.memory_space<vmem>>[vector<16xi32>], vector<16xi32>,
        %parallel_loop3A_305 = arith.constant 9 : i32
        %parallel_loop3A_306 = vector.broadcast %parallel_loop3A_305 : i32 to vector<16xi32>
        %parallel_loop3A_307 = arith.muli %parallel_loop3A_296, %parallel_loop3A_306 : vector<16xi32>
        %parallel_loop3A_308 = arith.constant 3 : i32
        %parallel_loop3A_309 = vector.broadcast %parallel_loop3A_308 : i32 to vector<16xi32>
        %parallel_loop3A_310 = arith.muli %parallel_loop3A_303, %parallel_loop3A_309 : vector<16xi32>
        %parallel_loop3A_311 = arith.addi %parallel_loop3A_307, %parallel_loop3A_310 : vector<16xi32>
        %parallel_loop3A_312 = arith.addi %parallel_loop3A_311, %parallel_loop3A_304 : vector<16xi32>
        %parallel_loop3A_313 = tpu.vector_load_idx %arg8[%parallel_loop3A_312] : memref<576xf32, #tpu.memory_space<vmem>>[vector<16xi32>], vector<16xf32>,
        %parallel_loop3A_314 = arith.mulf %parallel_loop3A_313, %broadcast_in_dim3A_105 : vector<16xf32>
        %parallel_loop3A_315 = arith.addf %parallel_loop3A_221, %parallel_loop3A_314 : vector<16xf32>
        %parallel_loop3A_316 = arith.constant 4 : i32
        %parallel_loop3A_317 = arith.muli %parallel_loop3A_218, %parallel_loop3A_316 : i32
        %parallel_loop3A_318 = arith.constant 3 : i32
        %parallel_loop3A_319 = arith.addi %parallel_loop3A_317, %parallel_loop3A_318 : i32
        %parallel_loop3A_320 = arith.constant 16 : i32
        %parallel_loop3A_321 = arith.muli %parallel_loop3A_319, %parallel_loop3A_320 : i32
        %parallel_loop3A_322 = arith.constant 16 : i32
        %parallel_loop3A_323 = arith.muli %parallel_loop3A_319, %parallel_loop3A_322 : i32
        %parallel_loop3A_324 = vector.broadcast %parallel_loop3A_323 : i32 to vector<16xi32>
        %parallel_loop3A_325 = arith.addi %parallel_loop3A_324, %iota3A : vector<16xi32>
        %parallel_loop3A_326 = arith.index_cast %parallel_loop3A_321 : i32 to index
        %parallel_loop3A_327 = tpu.vector_load %arg9[%parallel_loop3A_326] {strides = array<i32>} : memref<2048xi32, #tpu.memory_space<vmem>>, vector<16xi32>,
        %parallel_loop3A_328 = arith.constant 0 : i32
        %parallel_loop3A_329 = vector.broadcast %parallel_loop3A_328 : i32 to vector<16xi32>
        %parallel_loop3A_330 = tpu.vector_load_idx %arg12[%parallel_loop3A_329, %parallel_loop3A_325] : memref<2x2048xi32, #tpu.memory_space<vmem>>[vector<16xi32>, vector<16xi32>], vector<16xi32>,
        %parallel_loop3A_331 = arith.constant 1 : i32
        %parallel_loop3A_332 = vector.broadcast %parallel_loop3A_331 : i32 to vector<16xi32>
        %parallel_loop3A_333 = tpu.vector_load_idx %arg12[%parallel_loop3A_332, %parallel_loop3A_325] : memref<2x2048xi32, #tpu.memory_space<vmem>>[vector<16xi32>, vector<16xi32>], vector<16xi32>,
        %parallel_loop3A_334 = tpu.vector_load_idx %arg7[%parallel_loop3A_330] : memref<100000xi32, #tpu.memory_space<vmem>>[vector<16xi32>], vector<16xi32>,
        %parallel_loop3A_335 = tpu.vector_load_idx %arg7[%parallel_loop3A_333] : memref<100000xi32, #tpu.memory_space<vmem>>[vector<16xi32>], vector<16xi32>,
        %parallel_loop3A_336 = arith.constant 9 : i32
        %parallel_loop3A_337 = vector.broadcast %parallel_loop3A_336 : i32 to vector<16xi32>
        %parallel_loop3A_338 = arith.muli %parallel_loop3A_327, %parallel_loop3A_337 : vector<16xi32>
        %parallel_loop3A_339 = arith.constant 3 : i32
        %parallel_loop3A_340 = vector.broadcast %parallel_loop3A_339 : i32 to vector<16xi32>
        %parallel_loop3A_341 = arith.muli %parallel_loop3A_334, %parallel_loop3A_340 : vector<16xi32>
        %parallel_loop3A_342 = arith.addi %parallel_loop3A_338, %parallel_loop3A_341 : vector<16xi32>
        %parallel_loop3A_343 = arith.addi %parallel_loop3A_342, %parallel_loop3A_335 : vector<16xi32>
        %parallel_loop3A_344 = tpu.vector_load_idx %arg8[%parallel_loop3A_343] : memref<576xf32, #tpu.memory_space<vmem>>[vector<16xi32>], vector<16xf32>,
        %parallel_loop3A_345 = arith.mulf %parallel_loop3A_344, %broadcast_in_dim3A_105 : vector<16xf32>
        %parallel_loop3A_346 = arith.addf %parallel_loop3A_222, %parallel_loop3A_345 : vector<16xf32>
        scf.yield %parallel_loop3A_253, %parallel_loop3A_284, %parallel_loop3A_315, %parallel_loop3A_346 : vector<16xf32>, vector<16xf32>, vector<16xf32>, vector<16xf32>
      } {sc.loop_unroll_factor = 4 : i64, sc.parallel_access}
      %add3A_109 = arith.constant 0 : i32
      %add3A_110 = arith.addi %mul3A_82, %add3A_109 : i32
      %add3A_111 = arith.constant 3 : i32
      %add3A_112 = arith.addi %add3A_110, %add3A_111 : i32
      %mul3A_113 = arith.constant 32 : i32
      %mul3A_114 = arith.muli %add3A_112, %mul3A_113 : i32
      %add3A_115 = arith.addi %add3A, %mul3A_114 : i32
      %min3A_116 = arith.constant 3124 : i32
      %min3A_117 = arith.minsi %add3A_115, %min3A_116 : i32
      %mul3A_118 = arith.constant 2048 : i32
      %mul3A_119 = arith.muli %min3A_117, %mul3A_118 : i32
      %dma_start3A_120 = tpu.memref_slice %arg3[%mul3A_119] : memref<6400000xi32, #tpu.memory_space<hbm>> -> memref<2048xi32, #tpu.memory_space<hbm>>
      %dma_start3A_121 = tpu.memref_slice %arg3[%mul3A_119] : memref<6400000xi32, #tpu.memory_space<hbm>> -> memref<2048xi32, #tpu.memory_space<hbm>>
      tpu.enqueue_dma source(%dma_start3A_121 : memref<2048xi32, #tpu.memory_space<hbm>>) target(%arg9 : memref<2048xi32, #tpu.memory_space<vmem>>) target_semaphore(%arg17 : memref<!tpu.dma_semaphore, #tpu.memory_space<semaphore_mem>>)
      %dma_start3A_122 = arith.constant 0 : i32
      %dma_start3A_123 = tpu.memref_slice %arg4[%dma_start3A_122, %mul3A_119] : memref<2x6400000xi32, #tpu.memory_space<hbm>> -> memref<2x2048xi32, #tpu.memory_space<hbm>>
      %dma_start3A_124 = arith.constant 0 : i32
      %dma_start3A_125 = tpu.memref_slice %arg4[%dma_start3A_124, %mul3A_119] : memref<2x6400000xi32, #tpu.memory_space<hbm>> -> memref<2x2048xi32, #tpu.memory_space<hbm>>
      tpu.enqueue_dma source(%dma_start3A_125 : memref<2x2048xi32, #tpu.memory_space<hbm>>) target(%arg12 : memref<2x2048xi32, #tpu.memory_space<vmem>>) target_semaphore(%arg17 : memref<!tpu.dma_semaphore, #tpu.memory_space<semaphore_mem>>)
      %dma_wait3A_126 = arith.constant 0 : i32
      %dma_wait3A_127 = tpu.memref_slice %arg3[%dma_wait3A_126] : memref<6400000xi32, #tpu.memory_space<hbm>> -> memref<2048xi32, #tpu.memory_space<hbm>>
      %dma_wait3A_128 = arith.constant 0 : i32
      %dma_wait3A_129 = tpu.memref_slice %arg3[%dma_wait3A_128] : memref<6400000xi32, #tpu.memory_space<hbm>> -> memref<2048xi32, #tpu.memory_space<hbm>>
      tpu.wait_dma2 semaphore(%arg18 : memref<!tpu.dma_semaphore, #tpu.memory_space<semaphore_mem>>) src(%dma_wait3A_129 : memref<2048xi32, #tpu.memory_space<hbm>>) dst(%arg10 : memref<2048xi32, #tpu.memory_space<vmem>>)
      %dma_wait3A_130 = arith.constant 0 : i32
      %dma_wait3A_131 = arith.constant 0 : i32
      %dma_wait3A_132 = tpu.memref_slice %arg4[%dma_wait3A_130, %dma_wait3A_131] : memref<2x6400000xi32, #tpu.memory_space<hbm>> -> memref<2x2048xi32, #tpu.memory_space<hbm>>
      %dma_wait3A_133 = arith.constant 0 : i32
      %dma_wait3A_134 = arith.constant 0 : i32
      %dma_wait3A_135 = tpu.memref_slice %arg4[%dma_wait3A_133, %dma_wait3A_134] : memref<2x6400000xi32, #tpu.memory_space<hbm>> -> memref<2x2048xi32, #tpu.memory_space<hbm>>
      tpu.wait_dma2 semaphore(%arg18 : memref<!tpu.dma_semaphore, #tpu.memory_space<semaphore_mem>>) src(%dma_wait3A_135 : memref<2x2048xi32, #tpu.memory_space<hbm>>) dst(%arg13 : memref<2x2048xi32, #tpu.memory_space<vmem>>)
      %add3A_136 = arith.constant 1 : i32
      %add3A_137 = arith.addi %mul3A_82, %add3A_136 : i32
      %mul3A_138 = arith.constant 32 : i32
      %mul3A_139 = arith.muli %add3A_137, %mul3A_138 : i32
      %add3A_140 = arith.addi %add3A, %mul3A_139 : i32
      %min3A_141 = arith.constant 3124 : i32
      %min3A_142 = arith.minsi %add3A_140, %min3A_141 : i32
      %mul3A_143 = arith.constant 32 : i32
      %mul3A_144 = arith.muli %add3A_137, %mul3A_143 : i32
      %add3A_145 = arith.addi %add3A, %mul3A_144 : i32
      %eq3A_146 = arith.cmpi eq, %min3A_142, %add3A_145 : i32
      %jit3A_147 = arith.constant 1.000000e+00 : f32
      %jit3A_148 = arith.constant 0.000000e+00 : f32
      %select_n3A_149 = arith.select %eq3A_146, %jit3A_147, %jit3A_148 : f32
      %broadcast_in_dim3A_150 = vector.broadcast %select_n3A_149 : f32 to vector<16xf32>
      %parallel_loop3A_151 = arith.constant 0 : i32
      %parallel_loop3A_152 = arith.constant 32 : i32
      %parallel_loop3A_153 = arith.constant 1 : i32
      %parallel_loop3A_154:4 = scf.for %parallel_loop3A_218 = %parallel_loop3A_151 to %parallel_loop3A_152 step %parallel_loop3A_153 iter_args(%parallel_loop3A_219 = %parallel_loop3A_108#0, %parallel_loop3A_220 = %parallel_loop3A_108#1, %parallel_loop3A_221 = %parallel_loop3A_108#2, %parallel_loop3A_222 = %parallel_loop3A_108#3) -> (vector<16xf32>, vector<16xf32>, vector<16xf32>, vector<16xf32>)  : i32 {
        %parallel_loop3A_223 = arith.constant 4 : i32
        %parallel_loop3A_224 = arith.muli %parallel_loop3A_218, %parallel_loop3A_223 : i32
        %parallel_loop3A_225 = arith.constant 0 : i32
        %parallel_loop3A_226 = arith.addi %parallel_loop3A_224, %parallel_loop3A_225 : i32
        %parallel_loop3A_227 = arith.constant 16 : i32
        %parallel_loop3A_228 = arith.muli %parallel_loop3A_226, %parallel_loop3A_227 : i32
        %parallel_loop3A_229 = arith.constant 16 : i32
        %parallel_loop3A_230 = arith.muli %parallel_loop3A_226, %parallel_loop3A_229 : i32
        %parallel_loop3A_231 = vector.broadcast %parallel_loop3A_230 : i32 to vector<16xi32>
        %parallel_loop3A_232 = arith.addi %parallel_loop3A_231, %iota3A : vector<16xi32>
        %parallel_loop3A_233 = arith.index_cast %parallel_loop3A_228 : i32 to index
        %parallel_loop3A_234 = tpu.vector_load %arg10[%parallel_loop3A_233] {strides = array<i32>} : memref<2048xi32, #tpu.memory_space<vmem>>, vector<16xi32>,
        %parallel_loop3A_235 = arith.constant 0 : i32
        %parallel_loop3A_236 = vector.broadcast %parallel_loop3A_235 : i32 to vector<16xi32>
        %parallel_loop3A_237 = tpu.vector_load_idx %arg13[%parallel_loop3A_236, %parallel_loop3A_232] : memref<2x2048xi32, #tpu.memory_space<vmem>>[vector<16xi32>, vector<16xi32>], vector<16xi32>,
        %parallel_loop3A_238 = arith.constant 1 : i32
        %parallel_loop3A_239 = vector.broadcast %parallel_loop3A_238 : i32 to vector<16xi32>
        %parallel_loop3A_240 = tpu.vector_load_idx %arg13[%parallel_loop3A_239, %parallel_loop3A_232] : memref<2x2048xi32, #tpu.memory_space<vmem>>[vector<16xi32>, vector<16xi32>], vector<16xi32>,
        %parallel_loop3A_241 = tpu.vector_load_idx %arg7[%parallel_loop3A_237] : memref<100000xi32, #tpu.memory_space<vmem>>[vector<16xi32>], vector<16xi32>,
        %parallel_loop3A_242 = tpu.vector_load_idx %arg7[%parallel_loop3A_240] : memref<100000xi32, #tpu.memory_space<vmem>>[vector<16xi32>], vector<16xi32>,
        %parallel_loop3A_243 = arith.constant 9 : i32
        %parallel_loop3A_244 = vector.broadcast %parallel_loop3A_243 : i32 to vector<16xi32>
        %parallel_loop3A_245 = arith.muli %parallel_loop3A_234, %parallel_loop3A_244 : vector<16xi32>
        %parallel_loop3A_246 = arith.constant 3 : i32
        %parallel_loop3A_247 = vector.broadcast %parallel_loop3A_246 : i32 to vector<16xi32>
        %parallel_loop3A_248 = arith.muli %parallel_loop3A_241, %parallel_loop3A_247 : vector<16xi32>
        %parallel_loop3A_249 = arith.addi %parallel_loop3A_245, %parallel_loop3A_248 : vector<16xi32>
        %parallel_loop3A_250 = arith.addi %parallel_loop3A_249, %parallel_loop3A_242 : vector<16xi32>
        %parallel_loop3A_251 = tpu.vector_load_idx %arg8[%parallel_loop3A_250] : memref<576xf32, #tpu.memory_space<vmem>>[vector<16xi32>], vector<16xf32>,
        %parallel_loop3A_252 = arith.mulf %parallel_loop3A_251, %broadcast_in_dim3A_150 : vector<16xf32>
        %parallel_loop3A_253 = arith.addf %parallel_loop3A_219, %parallel_loop3A_252 : vector<16xf32>
        %parallel_loop3A_254 = arith.constant 4 : i32
        %parallel_loop3A_255 = arith.muli %parallel_loop3A_218, %parallel_loop3A_254 : i32
        %parallel_loop3A_256 = arith.constant 1 : i32
        %parallel_loop3A_257 = arith.addi %parallel_loop3A_255, %parallel_loop3A_256 : i32
        %parallel_loop3A_258 = arith.constant 16 : i32
        %parallel_loop3A_259 = arith.muli %parallel_loop3A_257, %parallel_loop3A_258 : i32
        %parallel_loop3A_260 = arith.constant 16 : i32
        %parallel_loop3A_261 = arith.muli %parallel_loop3A_257, %parallel_loop3A_260 : i32
        %parallel_loop3A_262 = vector.broadcast %parallel_loop3A_261 : i32 to vector<16xi32>
        %parallel_loop3A_263 = arith.addi %parallel_loop3A_262, %iota3A : vector<16xi32>
        %parallel_loop3A_264 = arith.index_cast %parallel_loop3A_259 : i32 to index
        %parallel_loop3A_265 = tpu.vector_load %arg10[%parallel_loop3A_264] {strides = array<i32>} : memref<2048xi32, #tpu.memory_space<vmem>>, vector<16xi32>,
        %parallel_loop3A_266 = arith.constant 0 : i32
        %parallel_loop3A_267 = vector.broadcast %parallel_loop3A_266 : i32 to vector<16xi32>
        %parallel_loop3A_268 = tpu.vector_load_idx %arg13[%parallel_loop3A_267, %parallel_loop3A_263] : memref<2x2048xi32, #tpu.memory_space<vmem>>[vector<16xi32>, vector<16xi32>], vector<16xi32>,
        %parallel_loop3A_269 = arith.constant 1 : i32
        %parallel_loop3A_270 = vector.broadcast %parallel_loop3A_269 : i32 to vector<16xi32>
        %parallel_loop3A_271 = tpu.vector_load_idx %arg13[%parallel_loop3A_270, %parallel_loop3A_263] : memref<2x2048xi32, #tpu.memory_space<vmem>>[vector<16xi32>, vector<16xi32>], vector<16xi32>,
        %parallel_loop3A_272 = tpu.vector_load_idx %arg7[%parallel_loop3A_268] : memref<100000xi32, #tpu.memory_space<vmem>>[vector<16xi32>], vector<16xi32>,
        %parallel_loop3A_273 = tpu.vector_load_idx %arg7[%parallel_loop3A_271] : memref<100000xi32, #tpu.memory_space<vmem>>[vector<16xi32>], vector<16xi32>,
        %parallel_loop3A_274 = arith.constant 9 : i32
        %parallel_loop3A_275 = vector.broadcast %parallel_loop3A_274 : i32 to vector<16xi32>
        %parallel_loop3A_276 = arith.muli %parallel_loop3A_265, %parallel_loop3A_275 : vector<16xi32>
        %parallel_loop3A_277 = arith.constant 3 : i32
        %parallel_loop3A_278 = vector.broadcast %parallel_loop3A_277 : i32 to vector<16xi32>
        %parallel_loop3A_279 = arith.muli %parallel_loop3A_272, %parallel_loop3A_278 : vector<16xi32>
        %parallel_loop3A_280 = arith.addi %parallel_loop3A_276, %parallel_loop3A_279 : vector<16xi32>
        %parallel_loop3A_281 = arith.addi %parallel_loop3A_280, %parallel_loop3A_273 : vector<16xi32>
        %parallel_loop3A_282 = tpu.vector_load_idx %arg8[%parallel_loop3A_281] : memref<576xf32, #tpu.memory_space<vmem>>[vector<16xi32>], vector<16xf32>,
        %parallel_loop3A_283 = arith.mulf %parallel_loop3A_282, %broadcast_in_dim3A_150 : vector<16xf32>
        %parallel_loop3A_284 = arith.addf %parallel_loop3A_220, %parallel_loop3A_283 : vector<16xf32>
        %parallel_loop3A_285 = arith.constant 4 : i32
        %parallel_loop3A_286 = arith.muli %parallel_loop3A_218, %parallel_loop3A_285 : i32
        %parallel_loop3A_287 = arith.constant 2 : i32
        %parallel_loop3A_288 = arith.addi %parallel_loop3A_286, %parallel_loop3A_287 : i32
        %parallel_loop3A_289 = arith.constant 16 : i32
        %parallel_loop3A_290 = arith.muli %parallel_loop3A_288, %parallel_loop3A_289 : i32
        %parallel_loop3A_291 = arith.constant 16 : i32
        %parallel_loop3A_292 = arith.muli %parallel_loop3A_288, %parallel_loop3A_291 : i32
        %parallel_loop3A_293 = vector.broadcast %parallel_loop3A_292 : i32 to vector<16xi32>
        %parallel_loop3A_294 = arith.addi %parallel_loop3A_293, %iota3A : vector<16xi32>
        %parallel_loop3A_295 = arith.index_cast %parallel_loop3A_290 : i32 to index
        %parallel_loop3A_296 = tpu.vector_load %arg10[%parallel_loop3A_295] {strides = array<i32>} : memref<2048xi32, #tpu.memory_space<vmem>>, vector<16xi32>,
        %parallel_loop3A_297 = arith.constant 0 : i32
        %parallel_loop3A_298 = vector.broadcast %parallel_loop3A_297 : i32 to vector<16xi32>
        %parallel_loop3A_299 = tpu.vector_load_idx %arg13[%parallel_loop3A_298, %parallel_loop3A_294] : memref<2x2048xi32, #tpu.memory_space<vmem>>[vector<16xi32>, vector<16xi32>], vector<16xi32>,
        %parallel_loop3A_300 = arith.constant 1 : i32
        %parallel_loop3A_301 = vector.broadcast %parallel_loop3A_300 : i32 to vector<16xi32>
        %parallel_loop3A_302 = tpu.vector_load_idx %arg13[%parallel_loop3A_301, %parallel_loop3A_294] : memref<2x2048xi32, #tpu.memory_space<vmem>>[vector<16xi32>, vector<16xi32>], vector<16xi32>,
        %parallel_loop3A_303 = tpu.vector_load_idx %arg7[%parallel_loop3A_299] : memref<100000xi32, #tpu.memory_space<vmem>>[vector<16xi32>], vector<16xi32>,
        %parallel_loop3A_304 = tpu.vector_load_idx %arg7[%parallel_loop3A_302] : memref<100000xi32, #tpu.memory_space<vmem>>[vector<16xi32>], vector<16xi32>,
        %parallel_loop3A_305 = arith.constant 9 : i32
        %parallel_loop3A_306 = vector.broadcast %parallel_loop3A_305 : i32 to vector<16xi32>
        %parallel_loop3A_307 = arith.muli %parallel_loop3A_296, %parallel_loop3A_306 : vector<16xi32>
        %parallel_loop3A_308 = arith.constant 3 : i32
        %parallel_loop3A_309 = vector.broadcast %parallel_loop3A_308 : i32 to vector<16xi32>
        %parallel_loop3A_310 = arith.muli %parallel_loop3A_303, %parallel_loop3A_309 : vector<16xi32>
        %parallel_loop3A_311 = arith.addi %parallel_loop3A_307, %parallel_loop3A_310 : vector<16xi32>
        %parallel_loop3A_312 = arith.addi %parallel_loop3A_311, %parallel_loop3A_304 : vector<16xi32>
        %parallel_loop3A_313 = tpu.vector_load_idx %arg8[%parallel_loop3A_312] : memref<576xf32, #tpu.memory_space<vmem>>[vector<16xi32>], vector<16xf32>,
        %parallel_loop3A_314 = arith.mulf %parallel_loop3A_313, %broadcast_in_dim3A_150 : vector<16xf32>
        %parallel_loop3A_315 = arith.addf %parallel_loop3A_221, %parallel_loop3A_314 : vector<16xf32>
        %parallel_loop3A_316 = arith.constant 4 : i32
        %parallel_loop3A_317 = arith.muli %parallel_loop3A_218, %parallel_loop3A_316 : i32
        %parallel_loop3A_318 = arith.constant 3 : i32
        %parallel_loop3A_319 = arith.addi %parallel_loop3A_317, %parallel_loop3A_318 : i32
        %parallel_loop3A_320 = arith.constant 16 : i32
        %parallel_loop3A_321 = arith.muli %parallel_loop3A_319, %parallel_loop3A_320 : i32
        %parallel_loop3A_322 = arith.constant 16 : i32
        %parallel_loop3A_323 = arith.muli %parallel_loop3A_319, %parallel_loop3A_322 : i32
        %parallel_loop3A_324 = vector.broadcast %parallel_loop3A_323 : i32 to vector<16xi32>
        %parallel_loop3A_325 = arith.addi %parallel_loop3A_324, %iota3A : vector<16xi32>
        %parallel_loop3A_326 = arith.index_cast %parallel_loop3A_321 : i32 to index
        %parallel_loop3A_327 = tpu.vector_load %arg10[%parallel_loop3A_326] {strides = array<i32>} : memref<2048xi32, #tpu.memory_space<vmem>>, vector<16xi32>,
        %parallel_loop3A_328 = arith.constant 0 : i32
        %parallel_loop3A_329 = vector.broadcast %parallel_loop3A_328 : i32 to vector<16xi32>
        %parallel_loop3A_330 = tpu.vector_load_idx %arg13[%parallel_loop3A_329, %parallel_loop3A_325] : memref<2x2048xi32, #tpu.memory_space<vmem>>[vector<16xi32>, vector<16xi32>], vector<16xi32>,
        %parallel_loop3A_331 = arith.constant 1 : i32
        %parallel_loop3A_332 = vector.broadcast %parallel_loop3A_331 : i32 to vector<16xi32>
        %parallel_loop3A_333 = tpu.vector_load_idx %arg13[%parallel_loop3A_332, %parallel_loop3A_325] : memref<2x2048xi32, #tpu.memory_space<vmem>>[vector<16xi32>, vector<16xi32>], vector<16xi32>,
        %parallel_loop3A_334 = tpu.vector_load_idx %arg7[%parallel_loop3A_330] : memref<100000xi32, #tpu.memory_space<vmem>>[vector<16xi32>], vector<16xi32>,
        %parallel_loop3A_335 = tpu.vector_load_idx %arg7[%parallel_loop3A_333] : memref<100000xi32, #tpu.memory_space<vmem>>[vector<16xi32>], vector<16xi32>,
        %parallel_loop3A_336 = arith.constant 9 : i32
        %parallel_loop3A_337 = vector.broadcast %parallel_loop3A_336 : i32 to vector<16xi32>
        %parallel_loop3A_338 = arith.muli %parallel_loop3A_327, %parallel_loop3A_337 : vector<16xi32>
        %parallel_loop3A_339 = arith.constant 3 : i32
        %parallel_loop3A_340 = vector.broadcast %parallel_loop3A_339 : i32 to vector<16xi32>
        %parallel_loop3A_341 = arith.muli %parallel_loop3A_334, %parallel_loop3A_340 : vector<16xi32>
        %parallel_loop3A_342 = arith.addi %parallel_loop3A_338, %parallel_loop3A_341 : vector<16xi32>
        %parallel_loop3A_343 = arith.addi %parallel_loop3A_342, %parallel_loop3A_335 : vector<16xi32>
        %parallel_loop3A_344 = tpu.vector_load_idx %arg8[%parallel_loop3A_343] : memref<576xf32, #tpu.memory_space<vmem>>[vector<16xi32>], vector<16xf32>,
        %parallel_loop3A_345 = arith.mulf %parallel_loop3A_344, %broadcast_in_dim3A_150 : vector<16xf32>
        %parallel_loop3A_346 = arith.addf %parallel_loop3A_222, %parallel_loop3A_345 : vector<16xf32>
        scf.yield %parallel_loop3A_253, %parallel_loop3A_284, %parallel_loop3A_315, %parallel_loop3A_346 : vector<16xf32>, vector<16xf32>, vector<16xf32>, vector<16xf32>
      } {sc.loop_unroll_factor = 4 : i64, sc.parallel_access}
      %add3A_155 = arith.constant 1 : i32
      %add3A_156 = arith.addi %mul3A_82, %add3A_155 : i32
      %add3A_157 = arith.constant 3 : i32
      %add3A_158 = arith.addi %add3A_156, %add3A_157 : i32
      %mul3A_159 = arith.constant 32 : i32
      %mul3A_160 = arith.muli %add3A_158, %mul3A_159 : i32
      %add3A_161 = arith.addi %add3A, %mul3A_160 : i32
      %min3A_162 = arith.constant 3124 : i32
      %min3A_163 = arith.minsi %add3A_161, %min3A_162 : i32
      %mul3A_164 = arith.constant 2048 : i32
      %mul3A_165 = arith.muli %min3A_163, %mul3A_164 : i32
      %dma_start3A_166 = tpu.memref_slice %arg3[%mul3A_165] : memref<6400000xi32, #tpu.memory_space<hbm>> -> memref<2048xi32, #tpu.memory_space<hbm>>
      %dma_start3A_167 = tpu.memref_slice %arg3[%mul3A_165] : memref<6400000xi32, #tpu.memory_space<hbm>> -> memref<2048xi32, #tpu.memory_space<hbm>>
      tpu.enqueue_dma source(%dma_start3A_167 : memref<2048xi32, #tpu.memory_space<hbm>>) target(%arg10 : memref<2048xi32, #tpu.memory_space<vmem>>) target_semaphore(%arg18 : memref<!tpu.dma_semaphore, #tpu.memory_space<semaphore_mem>>)
      %dma_start3A_168 = arith.constant 0 : i32
      %dma_start3A_169 = tpu.memref_slice %arg4[%dma_start3A_168, %mul3A_165] : memref<2x6400000xi32, #tpu.memory_space<hbm>> -> memref<2x2048xi32, #tpu.memory_space<hbm>>
      %dma_start3A_170 = arith.constant 0 : i32
      %dma_start3A_171 = tpu.memref_slice %arg4[%dma_start3A_170, %mul3A_165] : memref<2x6400000xi32, #tpu.memory_space<hbm>> -> memref<2x2048xi32, #tpu.memory_space<hbm>>
      tpu.enqueue_dma source(%dma_start3A_171 : memref<2x2048xi32, #tpu.memory_space<hbm>>) target(%arg13 : memref<2x2048xi32, #tpu.memory_space<vmem>>) target_semaphore(%arg18 : memref<!tpu.dma_semaphore, #tpu.memory_space<semaphore_mem>>)
      %dma_wait3A_172 = arith.constant 0 : i32
      %dma_wait3A_173 = tpu.memref_slice %arg3[%dma_wait3A_172] : memref<6400000xi32, #tpu.memory_space<hbm>> -> memref<2048xi32, #tpu.memory_space<hbm>>
      %dma_wait3A_174 = arith.constant 0 : i32
      %dma_wait3A_175 = tpu.memref_slice %arg3[%dma_wait3A_174] : memref<6400000xi32, #tpu.memory_space<hbm>> -> memref<2048xi32, #tpu.memory_space<hbm>>
      tpu.wait_dma2 semaphore(%arg19 : memref<!tpu.dma_semaphore, #tpu.memory_space<semaphore_mem>>) src(%dma_wait3A_175 : memref<2048xi32, #tpu.memory_space<hbm>>) dst(%arg11 : memref<2048xi32, #tpu.memory_space<vmem>>)
      %dma_wait3A_176 = arith.constant 0 : i32
      %dma_wait3A_177 = arith.constant 0 : i32
      %dma_wait3A_178 = tpu.memref_slice %arg4[%dma_wait3A_176, %dma_wait3A_177] : memref<2x6400000xi32, #tpu.memory_space<hbm>> -> memref<2x2048xi32, #tpu.memory_space<hbm>>
      %dma_wait3A_179 = arith.constant 0 : i32
      %dma_wait3A_180 = arith.constant 0 : i32
      %dma_wait3A_181 = tpu.memref_slice %arg4[%dma_wait3A_179, %dma_wait3A_180] : memref<2x6400000xi32, #tpu.memory_space<hbm>> -> memref<2x2048xi32, #tpu.memory_space<hbm>>
      tpu.wait_dma2 semaphore(%arg19 : memref<!tpu.dma_semaphore, #tpu.memory_space<semaphore_mem>>) src(%dma_wait3A_181 : memref<2x2048xi32, #tpu.memory_space<hbm>>) dst(%arg14 : memref<2x2048xi32, #tpu.memory_space<vmem>>)
      %add3A_182 = arith.constant 2 : i32
      %add3A_183 = arith.addi %mul3A_82, %add3A_182 : i32
      %mul3A_184 = arith.constant 32 : i32
      %mul3A_185 = arith.muli %add3A_183, %mul3A_184 : i32
      %add3A_186 = arith.addi %add3A, %mul3A_185 : i32
      %min3A_187 = arith.constant 3124 : i32
      %min3A_188 = arith.minsi %add3A_186, %min3A_187 : i32
      %mul3A_189 = arith.constant 32 : i32
      %mul3A_190 = arith.muli %add3A_183, %mul3A_189 : i32
      %add3A_191 = arith.addi %add3A, %mul3A_190 : i32
      %eq3A_192 = arith.cmpi eq, %min3A_188, %add3A_191 : i32
      %jit3A_193 = arith.constant 1.000000e+00 : f32
      %jit3A_194 = arith.constant 0.000000e+00 : f32
      %select_n3A_195 = arith.select %eq3A_192, %jit3A_193, %jit3A_194 : f32
      %broadcast_in_dim3A_196 = vector.broadcast %select_n3A_195 : f32 to vector<16xf32>
      %parallel_loop3A_197 = arith.constant 0 : i32
      %parallel_loop3A_198 = arith.constant 32 : i32
      %parallel_loop3A_199 = arith.constant 1 : i32
      %parallel_loop3A_200:4 = scf.for %parallel_loop3A_218 = %parallel_loop3A_197 to %parallel_loop3A_198 step %parallel_loop3A_199 iter_args(%parallel_loop3A_219 = %parallel_loop3A_154#0, %parallel_loop3A_220 = %parallel_loop3A_154#1, %parallel_loop3A_221 = %parallel_loop3A_154#2, %parallel_loop3A_222 = %parallel_loop3A_154#3) -> (vector<16xf32>, vector<16xf32>, vector<16xf32>, vector<16xf32>)  : i32 {
        %parallel_loop3A_223 = arith.constant 4 : i32
        %parallel_loop3A_224 = arith.muli %parallel_loop3A_218, %parallel_loop3A_223 : i32
        %parallel_loop3A_225 = arith.constant 0 : i32
        %parallel_loop3A_226 = arith.addi %parallel_loop3A_224, %parallel_loop3A_225 : i32
        %parallel_loop3A_227 = arith.constant 16 : i32
        %parallel_loop3A_228 = arith.muli %parallel_loop3A_226, %parallel_loop3A_227 : i32
        %parallel_loop3A_229 = arith.constant 16 : i32
        %parallel_loop3A_230 = arith.muli %parallel_loop3A_226, %parallel_loop3A_229 : i32
        %parallel_loop3A_231 = vector.broadcast %parallel_loop3A_230 : i32 to vector<16xi32>
        %parallel_loop3A_232 = arith.addi %parallel_loop3A_231, %iota3A : vector<16xi32>
        %parallel_loop3A_233 = arith.index_cast %parallel_loop3A_228 : i32 to index
        %parallel_loop3A_234 = tpu.vector_load %arg11[%parallel_loop3A_233] {strides = array<i32>} : memref<2048xi32, #tpu.memory_space<vmem>>, vector<16xi32>,
        %parallel_loop3A_235 = arith.constant 0 : i32
        %parallel_loop3A_236 = vector.broadcast %parallel_loop3A_235 : i32 to vector<16xi32>
        %parallel_loop3A_237 = tpu.vector_load_idx %arg14[%parallel_loop3A_236, %parallel_loop3A_232] : memref<2x2048xi32, #tpu.memory_space<vmem>>[vector<16xi32>, vector<16xi32>], vector<16xi32>,
        %parallel_loop3A_238 = arith.constant 1 : i32
        %parallel_loop3A_239 = vector.broadcast %parallel_loop3A_238 : i32 to vector<16xi32>
        %parallel_loop3A_240 = tpu.vector_load_idx %arg14[%parallel_loop3A_239, %parallel_loop3A_232] : memref<2x2048xi32, #tpu.memory_space<vmem>>[vector<16xi32>, vector<16xi32>], vector<16xi32>,
        %parallel_loop3A_241 = tpu.vector_load_idx %arg7[%parallel_loop3A_237] : memref<100000xi32, #tpu.memory_space<vmem>>[vector<16xi32>], vector<16xi32>,
        %parallel_loop3A_242 = tpu.vector_load_idx %arg7[%parallel_loop3A_240] : memref<100000xi32, #tpu.memory_space<vmem>>[vector<16xi32>], vector<16xi32>,
        %parallel_loop3A_243 = arith.constant 9 : i32
        %parallel_loop3A_244 = vector.broadcast %parallel_loop3A_243 : i32 to vector<16xi32>
        %parallel_loop3A_245 = arith.muli %parallel_loop3A_234, %parallel_loop3A_244 : vector<16xi32>
        %parallel_loop3A_246 = arith.constant 3 : i32
        %parallel_loop3A_247 = vector.broadcast %parallel_loop3A_246 : i32 to vector<16xi32>
        %parallel_loop3A_248 = arith.muli %parallel_loop3A_241, %parallel_loop3A_247 : vector<16xi32>
        %parallel_loop3A_249 = arith.addi %parallel_loop3A_245, %parallel_loop3A_248 : vector<16xi32>
        %parallel_loop3A_250 = arith.addi %parallel_loop3A_249, %parallel_loop3A_242 : vector<16xi32>
        %parallel_loop3A_251 = tpu.vector_load_idx %arg8[%parallel_loop3A_250] : memref<576xf32, #tpu.memory_space<vmem>>[vector<16xi32>], vector<16xf32>,
        %parallel_loop3A_252 = arith.mulf %parallel_loop3A_251, %broadcast_in_dim3A_196 : vector<16xf32>
        %parallel_loop3A_253 = arith.addf %parallel_loop3A_219, %parallel_loop3A_252 : vector<16xf32>
        %parallel_loop3A_254 = arith.constant 4 : i32
        %parallel_loop3A_255 = arith.muli %parallel_loop3A_218, %parallel_loop3A_254 : i32
        %parallel_loop3A_256 = arith.constant 1 : i32
        %parallel_loop3A_257 = arith.addi %parallel_loop3A_255, %parallel_loop3A_256 : i32
        %parallel_loop3A_258 = arith.constant 16 : i32
        %parallel_loop3A_259 = arith.muli %parallel_loop3A_257, %parallel_loop3A_258 : i32
        %parallel_loop3A_260 = arith.constant 16 : i32
        %parallel_loop3A_261 = arith.muli %parallel_loop3A_257, %parallel_loop3A_260 : i32
        %parallel_loop3A_262 = vector.broadcast %parallel_loop3A_261 : i32 to vector<16xi32>
        %parallel_loop3A_263 = arith.addi %parallel_loop3A_262, %iota3A : vector<16xi32>
        %parallel_loop3A_264 = arith.index_cast %parallel_loop3A_259 : i32 to index
        %parallel_loop3A_265 = tpu.vector_load %arg11[%parallel_loop3A_264] {strides = array<i32>} : memref<2048xi32, #tpu.memory_space<vmem>>, vector<16xi32>,
        %parallel_loop3A_266 = arith.constant 0 : i32
        %parallel_loop3A_267 = vector.broadcast %parallel_loop3A_266 : i32 to vector<16xi32>
        %parallel_loop3A_268 = tpu.vector_load_idx %arg14[%parallel_loop3A_267, %parallel_loop3A_263] : memref<2x2048xi32, #tpu.memory_space<vmem>>[vector<16xi32>, vector<16xi32>], vector<16xi32>,
        %parallel_loop3A_269 = arith.constant 1 : i32
        %parallel_loop3A_270 = vector.broadcast %parallel_loop3A_269 : i32 to vector<16xi32>
        %parallel_loop3A_271 = tpu.vector_load_idx %arg14[%parallel_loop3A_270, %parallel_loop3A_263] : memref<2x2048xi32, #tpu.memory_space<vmem>>[vector<16xi32>, vector<16xi32>], vector<16xi32>,
        %parallel_loop3A_272 = tpu.vector_load_idx %arg7[%parallel_loop3A_268] : memref<100000xi32, #tpu.memory_space<vmem>>[vector<16xi32>], vector<16xi32>,
        %parallel_loop3A_273 = tpu.vector_load_idx %arg7[%parallel_loop3A_271] : memref<100000xi32, #tpu.memory_space<vmem>>[vector<16xi32>], vector<16xi32>,
        %parallel_loop3A_274 = arith.constant 9 : i32
        %parallel_loop3A_275 = vector.broadcast %parallel_loop3A_274 : i32 to vector<16xi32>
        %parallel_loop3A_276 = arith.muli %parallel_loop3A_265, %parallel_loop3A_275 : vector<16xi32>
        %parallel_loop3A_277 = arith.constant 3 : i32
        %parallel_loop3A_278 = vector.broadcast %parallel_loop3A_277 : i32 to vector<16xi32>
        %parallel_loop3A_279 = arith.muli %parallel_loop3A_272, %parallel_loop3A_278 : vector<16xi32>
        %parallel_loop3A_280 = arith.addi %parallel_loop3A_276, %parallel_loop3A_279 : vector<16xi32>
        %parallel_loop3A_281 = arith.addi %parallel_loop3A_280, %parallel_loop3A_273 : vector<16xi32>
        %parallel_loop3A_282 = tpu.vector_load_idx %arg8[%parallel_loop3A_281] : memref<576xf32, #tpu.memory_space<vmem>>[vector<16xi32>], vector<16xf32>,
        %parallel_loop3A_283 = arith.mulf %parallel_loop3A_282, %broadcast_in_dim3A_196 : vector<16xf32>
        %parallel_loop3A_284 = arith.addf %parallel_loop3A_220, %parallel_loop3A_283 : vector<16xf32>
        %parallel_loop3A_285 = arith.constant 4 : i32
        %parallel_loop3A_286 = arith.muli %parallel_loop3A_218, %parallel_loop3A_285 : i32
        %parallel_loop3A_287 = arith.constant 2 : i32
        %parallel_loop3A_288 = arith.addi %parallel_loop3A_286, %parallel_loop3A_287 : i32
        %parallel_loop3A_289 = arith.constant 16 : i32
        %parallel_loop3A_290 = arith.muli %parallel_loop3A_288, %parallel_loop3A_289 : i32
        %parallel_loop3A_291 = arith.constant 16 : i32
        %parallel_loop3A_292 = arith.muli %parallel_loop3A_288, %parallel_loop3A_291 : i32
        %parallel_loop3A_293 = vector.broadcast %parallel_loop3A_292 : i32 to vector<16xi32>
        %parallel_loop3A_294 = arith.addi %parallel_loop3A_293, %iota3A : vector<16xi32>
        %parallel_loop3A_295 = arith.index_cast %parallel_loop3A_290 : i32 to index
        %parallel_loop3A_296 = tpu.vector_load %arg11[%parallel_loop3A_295] {strides = array<i32>} : memref<2048xi32, #tpu.memory_space<vmem>>, vector<16xi32>,
        %parallel_loop3A_297 = arith.constant 0 : i32
        %parallel_loop3A_298 = vector.broadcast %parallel_loop3A_297 : i32 to vector<16xi32>
        %parallel_loop3A_299 = tpu.vector_load_idx %arg14[%parallel_loop3A_298, %parallel_loop3A_294] : memref<2x2048xi32, #tpu.memory_space<vmem>>[vector<16xi32>, vector<16xi32>], vector<16xi32>,
        %parallel_loop3A_300 = arith.constant 1 : i32
        %parallel_loop3A_301 = vector.broadcast %parallel_loop3A_300 : i32 to vector<16xi32>
        %parallel_loop3A_302 = tpu.vector_load_idx %arg14[%parallel_loop3A_301, %parallel_loop3A_294] : memref<2x2048xi32, #tpu.memory_space<vmem>>[vector<16xi32>, vector<16xi32>], vector<16xi32>,
        %parallel_loop3A_303 = tpu.vector_load_idx %arg7[%parallel_loop3A_299] : memref<100000xi32, #tpu.memory_space<vmem>>[vector<16xi32>], vector<16xi32>,
        %parallel_loop3A_304 = tpu.vector_load_idx %arg7[%parallel_loop3A_302] : memref<100000xi32, #tpu.memory_space<vmem>>[vector<16xi32>], vector<16xi32>,
        %parallel_loop3A_305 = arith.constant 9 : i32
        %parallel_loop3A_306 = vector.broadcast %parallel_loop3A_305 : i32 to vector<16xi32>
        %parallel_loop3A_307 = arith.muli %parallel_loop3A_296, %parallel_loop3A_306 : vector<16xi32>
        %parallel_loop3A_308 = arith.constant 3 : i32
        %parallel_loop3A_309 = vector.broadcast %parallel_loop3A_308 : i32 to vector<16xi32>
        %parallel_loop3A_310 = arith.muli %parallel_loop3A_303, %parallel_loop3A_309 : vector<16xi32>
        %parallel_loop3A_311 = arith.addi %parallel_loop3A_307, %parallel_loop3A_310 : vector<16xi32>
        %parallel_loop3A_312 = arith.addi %parallel_loop3A_311, %parallel_loop3A_304 : vector<16xi32>
        %parallel_loop3A_313 = tpu.vector_load_idx %arg8[%parallel_loop3A_312] : memref<576xf32, #tpu.memory_space<vmem>>[vector<16xi32>], vector<16xf32>,
        %parallel_loop3A_314 = arith.mulf %parallel_loop3A_313, %broadcast_in_dim3A_196 : vector<16xf32>
        %parallel_loop3A_315 = arith.addf %parallel_loop3A_221, %parallel_loop3A_314 : vector<16xf32>
        %parallel_loop3A_316 = arith.constant 4 : i32
        %parallel_loop3A_317 = arith.muli %parallel_loop3A_218, %parallel_loop3A_316 : i32
        %parallel_loop3A_318 = arith.constant 3 : i32
        %parallel_loop3A_319 = arith.addi %parallel_loop3A_317, %parallel_loop3A_318 : i32
        %parallel_loop3A_320 = arith.constant 16 : i32
        %parallel_loop3A_321 = arith.muli %parallel_loop3A_319, %parallel_loop3A_320 : i32
        %parallel_loop3A_322 = arith.constant 16 : i32
        %parallel_loop3A_323 = arith.muli %parallel_loop3A_319, %parallel_loop3A_322 : i32
        %parallel_loop3A_324 = vector.broadcast %parallel_loop3A_323 : i32 to vector<16xi32>
        %parallel_loop3A_325 = arith.addi %parallel_loop3A_324, %iota3A : vector<16xi32>
        %parallel_loop3A_326 = arith.index_cast %parallel_loop3A_321 : i32 to index
        %parallel_loop3A_327 = tpu.vector_load %arg11[%parallel_loop3A_326] {strides = array<i32>} : memref<2048xi32, #tpu.memory_space<vmem>>, vector<16xi32>,
        %parallel_loop3A_328 = arith.constant 0 : i32
        %parallel_loop3A_329 = vector.broadcast %parallel_loop3A_328 : i32 to vector<16xi32>
        %parallel_loop3A_330 = tpu.vector_load_idx %arg14[%parallel_loop3A_329, %parallel_loop3A_325] : memref<2x2048xi32, #tpu.memory_space<vmem>>[vector<16xi32>, vector<16xi32>], vector<16xi32>,
        %parallel_loop3A_331 = arith.constant 1 : i32
        %parallel_loop3A_332 = vector.broadcast %parallel_loop3A_331 : i32 to vector<16xi32>
        %parallel_loop3A_333 = tpu.vector_load_idx %arg14[%parallel_loop3A_332, %parallel_loop3A_325] : memref<2x2048xi32, #tpu.memory_space<vmem>>[vector<16xi32>, vector<16xi32>], vector<16xi32>,
        %parallel_loop3A_334 = tpu.vector_load_idx %arg7[%parallel_loop3A_330] : memref<100000xi32, #tpu.memory_space<vmem>>[vector<16xi32>], vector<16xi32>,
        %parallel_loop3A_335 = tpu.vector_load_idx %arg7[%parallel_loop3A_333] : memref<100000xi32, #tpu.memory_space<vmem>>[vector<16xi32>], vector<16xi32>,
        %parallel_loop3A_336 = arith.constant 9 : i32
        %parallel_loop3A_337 = vector.broadcast %parallel_loop3A_336 : i32 to vector<16xi32>
        %parallel_loop3A_338 = arith.muli %parallel_loop3A_327, %parallel_loop3A_337 : vector<16xi32>
        %parallel_loop3A_339 = arith.constant 3 : i32
        %parallel_loop3A_340 = vector.broadcast %parallel_loop3A_339 : i32 to vector<16xi32>
        %parallel_loop3A_341 = arith.muli %parallel_loop3A_334, %parallel_loop3A_340 : vector<16xi32>
        %parallel_loop3A_342 = arith.addi %parallel_loop3A_338, %parallel_loop3A_341 : vector<16xi32>
        %parallel_loop3A_343 = arith.addi %parallel_loop3A_342, %parallel_loop3A_335 : vector<16xi32>
        %parallel_loop3A_344 = tpu.vector_load_idx %arg8[%parallel_loop3A_343] : memref<576xf32, #tpu.memory_space<vmem>>[vector<16xi32>], vector<16xf32>,
        %parallel_loop3A_345 = arith.mulf %parallel_loop3A_344, %broadcast_in_dim3A_196 : vector<16xf32>
        %parallel_loop3A_346 = arith.addf %parallel_loop3A_222, %parallel_loop3A_345 : vector<16xf32>
        scf.yield %parallel_loop3A_253, %parallel_loop3A_284, %parallel_loop3A_315, %parallel_loop3A_346 : vector<16xf32>, vector<16xf32>, vector<16xf32>, vector<16xf32>
      } {sc.loop_unroll_factor = 4 : i64, sc.parallel_access}
      %add3A_201 = arith.constant 2 : i32
      %add3A_202 = arith.addi %mul3A_82, %add3A_201 : i32
      %add3A_203 = arith.constant 3 : i32
      %add3A_204 = arith.addi %add3A_202, %add3A_203 : i32
      %mul3A_205 = arith.constant 32 : i32
      %mul3A_206 = arith.muli %add3A_204, %mul3A_205 : i32
      %add3A_207 = arith.addi %add3A, %mul3A_206 : i32
      %min3A_208 = arith.constant 3124 : i32
      %min3A_209 = arith.minsi %add3A_207, %min3A_208 : i32
      %mul3A_210 = arith.constant 2048 : i32
      %mul3A_211 = arith.muli %min3A_209, %mul3A_210 : i32
      %dma_start3A_212 = tpu.memref_slice %arg3[%mul3A_211] : memref<6400000xi32, #tpu.memory_space<hbm>> -> memref<2048xi32, #tpu.memory_space<hbm>>
      %dma_start3A_213 = tpu.memref_slice %arg3[%mul3A_211] : memref<6400000xi32, #tpu.memory_space<hbm>> -> memref<2048xi32, #tpu.memory_space<hbm>>
      tpu.enqueue_dma source(%dma_start3A_213 : memref<2048xi32, #tpu.memory_space<hbm>>) target(%arg11 : memref<2048xi32, #tpu.memory_space<vmem>>) target_semaphore(%arg19 : memref<!tpu.dma_semaphore, #tpu.memory_space<semaphore_mem>>)
      %dma_start3A_214 = arith.constant 0 : i32
      %dma_start3A_215 = tpu.memref_slice %arg4[%dma_start3A_214, %mul3A_211] : memref<2x6400000xi32, #tpu.memory_space<hbm>> -> memref<2x2048xi32, #tpu.memory_space<hbm>>
      %dma_start3A_216 = arith.constant 0 : i32
      %dma_start3A_217 = tpu.memref_slice %arg4[%dma_start3A_216, %mul3A_211] : memref<2x6400000xi32, #tpu.memory_space<hbm>> -> memref<2x2048xi32, #tpu.memory_space<hbm>>
      tpu.enqueue_dma source(%dma_start3A_217 : memref<2x2048xi32, #tpu.memory_space<hbm>>) target(%arg14 : memref<2x2048xi32, #tpu.memory_space<vmem>>) target_semaphore(%arg19 : memref<!tpu.dma_semaphore, #tpu.memory_space<semaphore_mem>>)
      scf.yield %parallel_loop3A_200#0, %parallel_loop3A_200#1, %parallel_loop3A_200#2, %parallel_loop3A_200#3 : vector<16xf32>, vector<16xf32>, vector<16xf32>, vector<16xf32>
    }
    %scan3A_42 = arith.constant 33 : i32
    %dma_wait3A = arith.constant 0 : i32
    %dma_wait3A_43 = tpu.memref_slice %arg3[%dma_wait3A] : memref<6400000xi32, #tpu.memory_space<hbm>> -> memref<2048xi32, #tpu.memory_space<hbm>>
    %dma_wait3A_44 = arith.constant 0 : i32
    %dma_wait3A_45 = tpu.memref_slice %arg3[%dma_wait3A_44] : memref<6400000xi32, #tpu.memory_space<hbm>> -> memref<2048xi32, #tpu.memory_space<hbm>>
    tpu.wait_dma2 semaphore(%arg17 : memref<!tpu.dma_semaphore, #tpu.memory_space<semaphore_mem>>) src(%dma_wait3A_45 : memref<2048xi32, #tpu.memory_space<hbm>>) dst(%arg9 : memref<2048xi32, #tpu.memory_space<vmem>>)
    %dma_wait3A_46 = arith.constant 0 : i32
    %dma_wait3A_47 = arith.constant 0 : i32
    %dma_wait3A_48 = tpu.memref_slice %arg4[%dma_wait3A_46, %dma_wait3A_47] : memref<2x6400000xi32, #tpu.memory_space<hbm>> -> memref<2x2048xi32, #tpu.memory_space<hbm>>
    %dma_wait3A_49 = arith.constant 0 : i32
    %dma_wait3A_50 = arith.constant 0 : i32
    %dma_wait3A_51 = tpu.memref_slice %arg4[%dma_wait3A_49, %dma_wait3A_50] : memref<2x6400000xi32, #tpu.memory_space<hbm>> -> memref<2x2048xi32, #tpu.memory_space<hbm>>
    tpu.wait_dma2 semaphore(%arg17 : memref<!tpu.dma_semaphore, #tpu.memory_space<semaphore_mem>>) src(%dma_wait3A_51 : memref<2x2048xi32, #tpu.memory_space<hbm>>) dst(%arg12 : memref<2x2048xi32, #tpu.memory_space<vmem>>)
    %dma_wait3A_52 = arith.constant 0 : i32
    %dma_wait3A_53 = tpu.memref_slice %arg3[%dma_wait3A_52] : memref<6400000xi32, #tpu.memory_space<hbm>> -> memref<2048xi32, #tpu.memory_space<hbm>>
    %dma_wait3A_54 = arith.constant 0 : i32
    %dma_wait3A_55 = tpu.memref_slice %arg3[%dma_wait3A_54] : memref<6400000xi32, #tpu.memory_space<hbm>> -> memref<2048xi32, #tpu.memory_space<hbm>>
    tpu.wait_dma2 semaphore(%arg18 : memref<!tpu.dma_semaphore, #tpu.memory_space<semaphore_mem>>) src(%dma_wait3A_55 : memref<2048xi32, #tpu.memory_space<hbm>>) dst(%arg10 : memref<2048xi32, #tpu.memory_space<vmem>>)
    %dma_wait3A_56 = arith.constant 0 : i32
    %dma_wait3A_57 = arith.constant 0 : i32
    %dma_wait3A_58 = tpu.memref_slice %arg4[%dma_wait3A_56, %dma_wait3A_57] : memref<2x6400000xi32, #tpu.memory_space<hbm>> -> memref<2x2048xi32, #tpu.memory_space<hbm>>
    %dma_wait3A_59 = arith.constant 0 : i32
    %dma_wait3A_60 = arith.constant 0 : i32
    %dma_wait3A_61 = tpu.memref_slice %arg4[%dma_wait3A_59, %dma_wait3A_60] : memref<2x6400000xi32, #tpu.memory_space<hbm>> -> memref<2x2048xi32, #tpu.memory_space<hbm>>
    tpu.wait_dma2 semaphore(%arg18 : memref<!tpu.dma_semaphore, #tpu.memory_space<semaphore_mem>>) src(%dma_wait3A_61 : memref<2x2048xi32, #tpu.memory_space<hbm>>) dst(%arg13 : memref<2x2048xi32, #tpu.memory_space<vmem>>)
    %dma_wait3A_62 = arith.constant 0 : i32
    %dma_wait3A_63 = tpu.memref_slice %arg3[%dma_wait3A_62] : memref<6400000xi32, #tpu.memory_space<hbm>> -> memref<2048xi32, #tpu.memory_space<hbm>>
    %dma_wait3A_64 = arith.constant 0 : i32
    %dma_wait3A_65 = tpu.memref_slice %arg3[%dma_wait3A_64] : memref<6400000xi32, #tpu.memory_space<hbm>> -> memref<2048xi32, #tpu.memory_space<hbm>>
    tpu.wait_dma2 semaphore(%arg19 : memref<!tpu.dma_semaphore, #tpu.memory_space<semaphore_mem>>) src(%dma_wait3A_65 : memref<2048xi32, #tpu.memory_space<hbm>>) dst(%arg11 : memref<2048xi32, #tpu.memory_space<vmem>>)
    %dma_wait3A_66 = arith.constant 0 : i32
    %dma_wait3A_67 = arith.constant 0 : i32
    %dma_wait3A_68 = tpu.memref_slice %arg4[%dma_wait3A_66, %dma_wait3A_67] : memref<2x6400000xi32, #tpu.memory_space<hbm>> -> memref<2x2048xi32, #tpu.memory_space<hbm>>
    %dma_wait3A_69 = arith.constant 0 : i32
    %dma_wait3A_70 = arith.constant 0 : i32
    %dma_wait3A_71 = tpu.memref_slice %arg4[%dma_wait3A_69, %dma_wait3A_70] : memref<2x6400000xi32, #tpu.memory_space<hbm>> -> memref<2x2048xi32, #tpu.memory_space<hbm>>
    tpu.wait_dma2 semaphore(%arg19 : memref<!tpu.dma_semaphore, #tpu.memory_space<semaphore_mem>>) src(%dma_wait3A_71 : memref<2x2048xi32, #tpu.memory_space<hbm>>) dst(%arg14 : memref<2x2048xi32, #tpu.memory_space<vmem>>)
    %add3A_72 = arith.addf %scan3A_41#0, %scan3A_41#1 : vector<16xf32>
    %add3A_73 = arith.addf %add3A_72, %scan3A_41#2 : vector<16xf32>
    %add3A_74 = arith.addf %add3A_73, %scan3A_41#3 : vector<16xf32>
    %swap3A = arith.constant 0 : index
    %swap3A_75 = tpu.vector_load %arg15[%swap3A] {strides = array<i32>} : memref<16xf32, #tpu.memory_space<vmem>>, vector<16xf32>,
    tpu.vector_store %arg15[%swap3A], %add3A_74 {strides = array<i32>} : memref<16xf32, #tpu.memory_space<vmem>>, vector<16xf32>,
    "tpu.region"() ({
      %run_scoped3A = tpu.sem_alloc : memref<!tpu.dma_semaphore, #tpu.memory_space<semaphore_mem>>
      %dma_start3A_76 = arith.constant 0 : i32
      %dma_start3A_77 = tpu.memref_slice %arg6[%add3A, %dma_start3A_76] : memref<32x16xf32, #tpu.memory_space<hbm>> -> memref<1x16xf32, #tpu.memory_space<hbm>>
      %dma_start3A_78 = tpu.memref_squeeze %dma_start3A_77 : memref<1x16xf32, #tpu.memory_space<hbm>> -> memref<16xf32, #tpu.memory_space<hbm>>
      %dma_start3A_79 = arith.constant 0 : i32
      %dma_start3A_80 = tpu.memref_slice %arg6[%add3A, %dma_start3A_79] : memref<32x16xf32, #tpu.memory_space<hbm>> -> memref<1x16xf32, #tpu.memory_space<hbm>>
      %dma_start3A_81 = tpu.memref_squeeze %dma_start3A_80 : memref<1x16xf32, #tpu.memory_space<hbm>> -> memref<16xf32, #tpu.memory_space<hbm>>
      tpu.enqueue_dma source(%arg15 : memref<16xf32, #tpu.memory_space<vmem>>) target(%dma_start3A_81 : memref<16xf32, #tpu.memory_space<hbm>>) target_semaphore(%run_scoped3A : memref<!tpu.dma_semaphore, #tpu.memory_space<semaphore_mem>>)
      %dma_wait3A_82 = arith.constant 0 : i32
      %dma_wait3A_83 = tpu.memref_slice %arg6[%add3A, %dma_wait3A_82] : memref<32x16xf32, #tpu.memory_space<hbm>> -> memref<1x16xf32, #tpu.memory_space<hbm>>
      %dma_wait3A_84 = tpu.memref_squeeze %dma_wait3A_83 : memref<1x16xf32, #tpu.memory_space<hbm>> -> memref<16xf32, #tpu.memory_space<hbm>>
      %dma_wait3A_85 = arith.constant 0 : i32
      %dma_wait3A_86 = tpu.memref_slice %arg6[%add3A, %dma_wait3A_85] : memref<32x16xf32, #tpu.memory_space<hbm>> -> memref<1x16xf32, #tpu.memory_space<hbm>>
      %dma_wait3A_87 = tpu.memref_squeeze %dma_wait3A_86 : memref<1x16xf32, #tpu.memory_space<hbm>> -> memref<16xf32, #tpu.memory_space<hbm>>
      tpu.wait_dma2 semaphore(%run_scoped3A : memref<!tpu.dma_semaphore, #tpu.memory_space<semaphore_mem>>) src(%arg15 : memref<16xf32, #tpu.memory_space<vmem>>) dst(%dma_wait3A_87 : memref<16xf32, #tpu.memory_space<hbm>>)
      tpu.yield
    }) : () -> ()
    return
  }
}

</mosaic_0001>

<sc_bundles>
// kernel: kernel.3.cloned.1.call-start
scs
__scs_entry_jumppad:
0x0: {  	(pc) =	sbr.rel $0x88, $3  }
0x1: {  	(tag) =	ssettag $0x0;
	lr =	simm.s32 $0x1  }
0x2: {  	[smem:$0x3F9D] =	sst lr;
	_ =	strace $0xD0000000  }
0x3: {  	_ = 	snop  }
0x4: {  	_ = 	snop  }
0x5: {  	_ = 	snop  }
0x6: {  	_ = 	snop  }
0x7: {  	_ = 	snop  }
__scs_overlays_trampoline_lowered:
0x8: {  	[smem:$0x3FAC] =	sst s0  }
0x9: {  	[smem:$0x3FAD] =	sst s1  }
0xa: {  	[smem:$0x3FAE] =	sst s2  }
0xb: {  	[smem:$0x3FAF] =	sst s3  }
0xc: {  	[smem:$0x3FB0] =	sst s4  }
0xd: {  	[smem:$0x3FB1] =	sst s5  }
0xe: {  	[smem:$0x3FB2] =	sst s6  }
0xf: {  	[smem:$0x3FB3] =	sst s7  }
0x10: {  	[smem:$0x3FB4] =	sst s8  }
0x11: {  	[smem:$0x3FB5] =	sst s9;
	s0 =	simm.s32 @!p0 $0x0  }
0x12: {  	s1 =	sld [smem:$0x3F9B];
	s0 =	simm.s32 @p0 $0x1  }
0x13: {  	[smem:$0x3FB6] =	sst s0;
	s0 =	simm.s32 @!p1 $0x0  }
0x14: {  	s2 =	sld [smem:$0x3F9A];
	s0 =	simm.s32 @p1 $0x1  }
0x15: {  	[smem:$0x3FB7] =	sst s0;
	s0 =	simm.s32 @!p2 $0x0  }
0x16: {  	s3 =	sld [smem:$0x3FDB];
	s0 =	simm.s32 @p2 $0x1  }
0x17: {  	s4 =	simm.s32 $0x1BF5;
	[smem:$0x3FB9] =	sst s0  }
0x18: {  	s0 =	sld [smem:$0x3F9C];
	_ =	swait.ge [sflag:s4], $0x0  }
0x19: {  	s7 =	sld [smem:$0x3F9D]  }
0x1a: {  	s8 =	sadd.s32 $0xFFFFE003, lr  }
0x1b: {  	s9 =	sadd.s32 $0xFFFFFEF7, lr;
	s5 =	simm.s32 $0xFFFFFFFF;
	p2 =	slt.u32 s8, $0xFFFFF086  }
0x1c: {  	p1 =	slt.u32 s9, $0xF7A;
	s5 =	simm.s32 @!p2 $0x0  }
0x1d: {  	s5 =	simm.s32 @p1 $0x1;
	p0 =	seq.s32 s7, s2  }
0x1e: {  	s7 =	smul.u32 @!p0 $0xF7A, s2;
	p2 =	seq.s32 @!p0 s5, $0x0  }
0x1f: {  	s9 =	smul.u32 $0xF7A, s1;
	s8 =	simm.s32 @!p0 $0x1BF5;
	p2 =	por !p2, p0  }
0x20: {  	[sflag:s8] =	ssyncset.s32 @!p0 $0xFFFFF086;
	s6 =	sadd.s32 @!p0 s3, s7;
	s7 =	simm.s32 @!p0 $0x108  }
0x21: {  	s3 =	sadd.s32 s3, s9;
	s6 =	sadd.s32 @!p0 $0x88, s6;
	s7 =	simm.s32 @p2 $0x1082  }
0x22: {  	[simem:s7], [sflag:s8] =	dma.local @!p0 [hbm:s6], $0xF7A  }
0x23: {  	s9 =	sor.u32 $0xD0000000, s2;
	s6 =	simm.s32 $0x108;
	_ =	swait.ge @!p0 [sflag:s8], $0x0  }
0x24: {  	s3 =	sadd.s32 $0x88, s3;
	s6 =	simm.s32 @!p1 $0x1082;
	[sflag:s4] =	ssyncset.s32 $0xFFFFF086  }
0x25: {  	[simem:s6], [sflag:s4] =	dma.local [hbm:s3], $0xF7A  }
0x26: {  	[smem:$0x3F9D] =	sst s1;
	(tag) =	ssettag s2;
	_ =	strace s9  }
0x27: {  	s1 =	sld [smem:$0x3FAD]  }
0x28: {  	s2 =	sld [smem:$0x3FAE]  }
0x29: {  	s4 =	sld [smem:$0x3FB0]  }
0x2a: {  	p0 =	seq.s32 s5, $0x0;
	s5 =	sld [smem:$0x3FB1]  }
0x2b: {  	s6 =	sld [smem:$0x3FB2]  }
0x2c: {  	s7 =	sld [smem:$0x3FB3]  }
0x2d: {  	s3 =	simm.s32 $0x108;
	s8 =	sld [smem:$0x3FB4]  }
0x2e: {  	s3 =	simm.s32 @!p0 $0x1082;
	s9 =	sld [smem:$0x3FB5]  }
0x2f: {  	lr =	sadd.s32 s0, s3;
	s0 =	sld [smem:$0x3FAC]  }
0x30: {  	s3 =	sld [smem:$0x3FAF]  }
0x31: {  	[smem:$0x3FB8] =	sst s10  }
0x32: {  	s10 =	sld [smem:$0x3FB6];
	_ =	sdelay $0x3  }
0x33: {  	p0 =	seq.s32 s10, $0x1;
	s10 =	sld [smem:$0x3FB8];
	_ =	sdelay $0x3  }
0x34: {  	[smem:$0x3FB8] =	sst s10  }
0x35: {  	s10 =	sld [smem:$0x3FB7];
	_ =	sdelay $0x3  }
0x36: {  	p1 =	seq.s32 s10, $0x1;
	s10 =	sld [smem:$0x3FB8];
	_ =	sdelay $0x3  }
0x37: {  	[smem:$0x3FB8] =	sst s10  }
0x38: {  	s10 =	sld [smem:$0x3FB9]  }
0x39: {  	_ = 	snop;
	(pc) =	sbr.ind lr, $3  }
0x3a: {  	_ = 	snop  }
0x3b: {  	_ = 	snop  }
0x3c: {  	p2 =	seq.s32 s10, $0x1;
	s10 =	sld [smem:$0x3FB8]  }
0x3d: {  	_ =	shalt  }
0x3e: {  	_ =	shalt  }
0x3f: {  	_ =	shalt  }
0x40: {  	_ =	shalt  }
0x41: {  	_ =	shalt  }
0x42: {  	_ =	shalt  }
0x43: {  	_ =	shalt  }
0x44: {  	_ =	shalt  }
0x45: {  	_ =	shalt  }
0x46: {  	_ =	shalt  }
0x47: {  	_ =	shalt  }
0x48: {  	_ =	shalt  }
0x49: {  	_ =	shalt  }
0x4a: {  	_ =	shalt  }
0x4b: {  	_ =	shalt  }
0x4c: {  	_ =	shalt  }
0x4d: {  	_ =	shalt  }
0x4e: {  	_ =	shalt  }
0x4f: {  	_ =	shalt  }
0x50: {  	_ =	shalt  }
0x51: {  	_ =	shalt  }
0x52: {  	_ =	shalt  }
0x53: {  	_ =	shalt  }
0x54: {  	_ =	shalt  }
0x55: {  	_ =	shalt  }
0x56: {  	_ =	shalt  }
0x57: {  	_ =	shalt  }
0x58: {  	_ =	shalt  }
0x59: {  	_ =	shalt  }
0x5a: {  	_ =	shalt  }
0x5b: {  	_ =	shalt  }
0x5c: {  	_ =	shalt  }
0x5d: {  	_ =	shalt  }
0x5e: {  	_ =	shalt  }
0x5f: {  	_ =	shalt  }
0x60: {  	_ =	shalt  }
0x61: {  	_ =	shalt  }
0x62: {  	_ =	shalt  }
0x63: {  	_ =	shalt  }
0x64: {  	_ =	shalt  }
0x65: {  	_ =	shalt  }
0x66: {  	_ =	shalt  }
0x67: {  	_ =	shalt  }
0x68: {  	_ =	shalt  }
0x69: {  	_ =	shalt  }
0x6a: {  	_ =	shalt  }
0x6b: {  	_ =	shalt  }
0x6c: {  	_ =	shalt  }
0x6d: {  	_ =	shalt  }
0x6e: {  	_ =	shalt  }
0x6f: {  	_ =	shalt  }
0x70: {  	_ =	shalt  }
0x71: {  	_ =	shalt  }
0x72: {  	_ =	shalt  }
0x73: {  	_ =	shalt  }
0x74: {  	_ =	shalt  }
0x75: {  	_ =	shalt  }
0x76: {  	_ =	shalt  }
0x77: {  	_ =	shalt  }
0x78: {  	_ =	shalt  }
0x79: {  	_ =	shalt  }
0x7a: {  	_ =	shalt  }
0x7b: {  	_ =	shalt  }
0x7c: {  	_ =	shalt  }
0x7d: {  	_ =	shalt  }
0x7e: {  	_ =	shalt  }
0x7f: {  	_ =	shalt  }
0x80: {  	_ =	shalt  }
0x81: {  	_ =	shalt  }
0x82: {  	_ =	shalt  }
0x83: {  	_ =	shalt  }
0x84: {  	_ =	shalt  }
0x85: {  	_ =	shalt  }
0x86: {  	_ =	shalt  }
0x87: {  	_ =	shalt  }
.Lfunc_end0:
.L_simem_size_0:
called_computation_lowered:
.L_overlay_start_0:
0x88: {  	s2 =	sld [smem:$0x3FD9]  }
0x89: {  	s3 =	sld [smem:$0x3FFE];
	_ =	sdelay $0x1  }
0x8a: {  	s1 =	srdreg.scid  }
0x8b: {  	s0 =	sand.u32 $0x1, s1  }
0x8c: {  	s17 =	sshll.u32 s0, $0xA;
	s2 =	sadd.s32 s3, s2  }
0x8d: {  	s2 =	sadd.s32 s2, s17  }
0x8e: {  	[smem:$0x3FC4] =	sst s2  }
0x8f: {  	_ = 	snop  }
0x90: {  	s2 =	sld [smem:$0x3FC9]  }
0x91: {  	s18 =	sld [smem:$0x3FC8]  }
0x92: {  	s4 =	sld [smem:$0x3FC7];
	(tm) =	ssettm $0x1  }
0x93: {  	s5 =	sld [smem:$0x3FFB];
	_ =	sdelay $0x3  }
0x94: {  	_ =	strace s5  }
0x95: {  	s5 =	sld [smem:$0x3FFC];
	_ =	sdelay $0x3  }
0x96: {  	_ =	strace s5  }
0x97: {  	s5 =	sld [smem:$0x3FFD];
	_ =	sdelay $0x3  }
0x98: {  	_ =	strace s5  }
0x99: {  	_ =	strace $0x8FFFFFFF  }
0x9a: {  	s19 =	sld [smem:$0x3FDB];
	_ =	sdelay $0x1  }
0x9b: {  	s6 =	simm.s32 $_scs_section_size  }
0x9c: {  	s7 =	simm.s32 $_size__tile_overlayer_lowered;
	s8 =	simm.s32 $_tile_overlayer_lowered  }
0x9d: {  	s22 =	simm.s32 $0x1BFF;
	s21 =	sshll.u32 s8, $0x1;
	s5 =	sadd.s32 s6, s19  }
0x9e: {  	s9 =	simm.s32 $0x0;
	s20 =	sshll.u32 s7, $0x1;
	s7 =	sadd.s32 s21, s5  }
0x9f: {  	[timem:s9], [sflag:s22] =	dma.local [hbm:s7], s20  }
0xa0: {  	_ =	swait.ge [sflag:s22], s20  }
0xa1: {  	s6 =	ssub.s32 $0x0, s20;
	[sflag:s22] =	ssyncset.done $0x0  }
0xa2: {  	[sflag:s22] =	ssyncadd.s32 s6;
	_ =	sdelay $0x1  }
0xa3: {  	s23 =	simm.s32 $0x1B8B  }
0xa4: {  	_ =	swait.ge [sflag:s23], $0x1  }
0xa5: {  	[sflag:s23] =	ssyncset.done $0x0  }
0xa6: {  	s25 =	simm.s32 $0x1B8E;
	s24 =	sld [smem:$0x3FFE];
	[sflag:s23] =	ssyncadd.s32 $0xFFFFFFFF  }
0xa7: {  	s26 =	simm.s32 $execute0_lowered;
	[smem:$0x3FD2] =	sst s25  }
0xa8: {  	s7 =	sshll.u32 s26, $0x1;
	_ =	strace $0x80000046;
	[dreg:$0x1] =	wrdreg $0xFFFFFFFF  }
0xa9: {  	s28 =	simm.s32 $_size_execute0_lowered;
	s5 =	sadd.s32 s5, s7;
	[dreg:$0x0] =	wrdreg $0x0  }
0xaa: {  	s7 =	sshll.u32 s28, $0x1;
	[dreg:$0x2] =	wrdreg s5  }
0xab: {  	[dreg:$0x3] =	wrdreg s7  }
0xac: {  	[dreg:$0x4] =	wrdreg $0xC0  }
0xad: {  	_ =	task [dreg:s9], $0x5FFFF  }
0xae: {  	[dreg:$0x1] =	wrdreg $0xFFFFFFFF  }
0xaf: {  	[dreg:$0x0] =	wrdreg $0x60  }
0xb0: {  	[dreg:$0x2] =	wrdreg s2  }
0xb1: {  	[dreg:$0x3] =	wrdreg s18  }
0xb2: {  	[dreg:$0x4] =	wrdreg s4  }
0xb3: {  	[dreg:$0x5] =	wrdreg s24  }
0xb4: {  	[dreg:$0x6] =	wrdreg $0x1D2000  }
0xb5: {  	[dreg:$0x7] =	wrdreg $0x9  }
0xb6: {  	_ =	task.clear_ibuf [dreg:s9], $0x8FFFF;
	_ =	strace $0x90000046  }
0xb7: {  	s29 =	simm.s32 $0x9;
	_ =	strace $0x80000048  }
0xb8: {  	_ =	swait.ge [sflag:s29], $0x1  }
0xb9: {  	[sflag:s29] =	ssyncadd.s32 $0xFFFFFFFF  }
0xba: {  	_ =	strace $0x90000048  }
0xbb: {  	_ =	sfence  }
0xbc: {  	s30 =	sld [smem:$0x0];
	_ =	sdelay $0x2  }
0xbd: {  	s31 =	sshll.u32 s1, $0xD;
	s1 =	sshrl.u32 s1, $0x2  }
0xbe: {  	s3 =	sand.u32 $0x4000, s31;
	s1 =	sadd.s32 s1, s30  }
0xbf: {  	s0 =	sor.u32 s3, s0;
	s1 =	sshll.u32 s1, $0x11  }
0xc0: {  	s0 =	sor.u32 s1, s0  }
0xc1: {  	s0 =	sadd.s32 $0x8F2B, s0  }
0xc2: {  	[sflag:s0] =	ssyncadd.remote.s32 $0x1  }
0xc3: {  	_ =	sfence.sel $0xFFFF  }
0xc4: {  	[dreg:$0x0] =	wrdreg $0xFFFFFFFF;
	(pc) =	sbr.abs _section_cstart, $3  }
0xc5: {  	[dreg:$0x1] =	wrdreg $0xFFFFFFFF  }
0xc6: {  	_ =	task.clear_ibuf [dreg:s9], $0x2FFFF;
	_ =	strace $0x9FFFFFFF  }
0xc7: {  	(tm) =	ssettm $0x7FFFFFFF  }
tec
execute0_lowered:
.L_overlay_start_1:
0x0: {  	(tag) =	ssettag $0x1  }
0x1: {  	s1 =	rddreg [dreg:$0x1]  }
0x2: {  	s2 =	rddreg [dreg:$0x2]  }
0x3: {  	s7 =	rddreg [dreg:$0x3];
	s0 =	srdreg.scid  }
0x4: {  	s3 =	stileid.u32;
	s6 =	simm.s32 $0x0;
	s20 =	simm.s32 $0x18980  }
0x5: {  	s21 =	simm.s32 $0x1A180;
	s28 =	simm.s32 $0x18700;
	s29 =	simm.s32 $0x1  }
0x6: {  	s30 =	simm.s32 $0x2;
	s31 =	simm.s32 $0x3;
	s0 =	sand.u32 $0x1, s0  }
0x7: {  	s4 =	sshll.u32 s3, $0x1;
	[smem:$0x7FF] =	sst s6;
	p0 =	sne.s32 s3, $0x0  }
0x8: {  	s4 =	sor.u32 s0, s4;
	s0 =	ssub.s32 $0x2, s0;
	_ =	strace $0x80000047  }
0x9: {  	s5 =	sshll.u32 s4, $0x4;
	s8 =	sshrl.u32 s0, $0x1;
	s22 =	sshll.u32 s4, $0x8  }
0xa: {  	s23 =	sshll.u32 s4, $0x9;
	s13 =	sor.u32 $0x60, s4;
	s14 =	ssub.s32 $0xC15, s4  }
0xb: {  	v9 =	vlaneseq.u32;
	s15 =	sor.u32 $0x80, s4;
	s16 =	ssub.s32 $0xBF5, s4;
	s17 =	sor.u32 $0xA0, s4  }
0xc: {  	v17 =	vor.u32 $0xF0, v9;
	s7 =	sadd.s32 s5, s7;
	s0 =	ssub.s32 s0, s8;
	s10 =	sor.u32 $0x200, s5  }
0xd: {  	v3 =	vor.u32 $0x50, v9;
	[tilespmem:$0x1FF80] =	vst v17;
	s8 =	sadd.s32 s1, s22;
	s5 =	sor.u32 $0x400, s5;
	s22 =	simm.s32 $0x19180  }
0xe: {  	v5 =	vor.u32 $0x60, v9;
	[tilespmem:$0x1FF90] =	vst v3;
	[dreg:$0x6] =	wrdreg s8;
	s9 =	sshll.u32 s10, $0x4;
	s8 =	sadd.s32 s2, s23  }
0xf: {  	v7 =	vor.u32 $0x70, v9;
	[tilespmem:$0x1FFA0] =	vst v5;
	s25 =	sshll.u32 s10, $0x5;
	s11 =	sshll.u32 s5, $0x4;
	s5 =	sshll.u32 s5, $0x5  }
0x10: {  	v0 =	vimm.s32 $0x0;
	vm0 =	vcmask $0x300;
	v2 =	vor.u32 $0xC0, v9;
	[tilespmem:$0x1FFB0] =	vst v7;
	s18 =	sadd.s32 $0x200, s7;
	s19 =	smax.u32 s0, $0x1;
	s23 =	simm.s32 $0x1B180  }
0x11: {  	v0 =	vsel vm0, $0x8, v0;
	v4 =	vor.u32 $0xD0, v9;
	[tilespmem:$0x1FFC0] =	vst v2;
	s0 =	simm.s32 $0x0;
	[dreg:$0x7] =	wrdreg s8;
	s24 =	sadd.s32 s1, s9  }
0x12: {  	v10 =	vor.u32 $0x80, v9;
	v11 =	vor.u32 $0x10, v9;
	v6 =	vor.u32 $0xE0, v9;
	[tilespmem:$0x1FFD0] =	vst v4;
	s8 =	sadd.s32 s2, s25;
	s26 =	sadd.s32 s1, s11;
	[dreg:$0x8] =	wrdreg s24  }
0x13: {  	v12 =	vor.u32 $0x90, v9;
	v13 =	vor.u32 $0x20, v9;
	v8 =	vor.u32 $0x40, v9;
	[tilespmem:$0x1FFE0] =	vst v6;
	s12 =	sadd.s32 s2, s5;
	s25 =	simm.s32 $0x1C180;
	[dreg:$0x9] =	wrdreg s8  }
0x14: {  	v14 =	vor.u32 $0xA0, v9;
	v15 =	vor.u32 $0x30, v9;
	v16 =	vor.u32 $0xB0, v9;
	[tilespmem:$0x1FFF0] =	vst v8;
	[dreg:$0xa] =	wrdreg s26;
	s24 =	simm.s32 $0x19980;
	s26 =	simm.s32 $0x4  }
.LBB2_1:
0x15: {  	s3 =	rddreg [dreg:$0x6]  }
0x16: {  	s7 =	rddreg [dreg:$0x7]  }
0x17: {  	[tilespmem:s20], [sflag:$0x1] =	stream.linear.gather [hbm4b:s3+s6], $0x800, $0x38;
	[tilespmem:$0x1EA70] =	vst v63  }
0x18: {  	s8 =	rddreg [dreg:$0x8]  }
0x19: {  	[tilespmem:s21], [sflag:$0x1] =	stream.linear.gather [hbm4b:s7+s6], $0x1000, $0x38;
	[tilespmem:$0x1EA70] =	vst v63  }
0x1a: {  	s9 =	rddreg [dreg:$0x9]  }
0x1b: {  	[tilespmem:s22], [sflag:$0x2] =	stream.linear.gather [hbm4b:s8+s6], $0x800, $0x38;
	[tilespmem:$0x1EA70] =	vst v63  }
0x1c: {  	s10 =	rddreg [dreg:$0xa]  }
0x1d: {  	[tilespmem:s23], [sflag:$0x2] =	stream.linear.gather [hbm4b:s9+s6], $0x1000, $0x38;
	[tilespmem:$0x1EA70] =	vst v63  }
0x1e: {  	s7 =	rddreg [dreg:$0x4]  }
0x1f: {  	[tilespmem:s24], [sflag:$0x3] =	stream.linear.gather [hbm4b:s10+s6], $0x800, $0x38;
	[tilespmem:$0x1EA70] =	vst v63  }
0x20: {  	s4 =	simm.s32 @!p0 $0x1C04;
	s5 =	rddreg [dreg:$0x0];
	s3 =	sshrl.u32 @!p0 s7, $0x3  }
0x21: {  	[tilespmem:s25], [sflag:$0x3] =	stream.linear.gather [hbm4b:s12+s6], $0x1000, $0x38;
	[tilespmem:$0x1EA70] =	vst v63  }
0x22: {  	[spmem:s3], [sflag:s4] =	dma.local @!p0 [hbm:s5], $0x30E0  }
0x23: {  	s3 =	simm.s32 @!p0 $0x4  }
0x24: {  	_ =	swait.ge @!p0 [sflag:s3], $0x30E0  }
0x25: {  	[sflag:s3] =	ssyncset.done @!p0 $0x0  }
0x26: {  	[sflag:s3] =	ssyncadd.s32 @!p0 $0xFFFFCF20  }
0x27: {  	[bflag:$0x0] =	sbarrier.arrive $0xFFFF  }
0x28: {  	[tilespmem:s6], [sflag:$0x4] =	stream.linear.gather [spmem:s7], $0x18700, $0x38;
	[tilespmem:$0x1EA70] =	vst v63  }
0x29: {  	_ =	swait.ge [sflag:s26], $0x18700  }
0x2a: {  	[sflag:s26] =	ssyncset.done $0x0  }
0x2b: {  	[sflag:s26] =	ssyncadd.s32 $0xFFFE7900  }
0x2c: {  	s11 =	rddreg [dreg:$0x3]  }
0x2d: {  	[tilespmem:s28], [sflag:$0x4] =	stream.linear.gather [hbm4b:s11+s6], $0x280, $0x38;
	[tilespmem:$0x1EA70] =	vst v63  }
0x2e: {  	_ =	swait.ge [sflag:s26], $0x280  }
0x2f: {  	v1 =	vimm.f32 $0.0e+00;
	[sflag:s26] =	ssyncset.done $0x0  }
0x30: {  	v18 =	vimm.f32 $0.0e+00;
	v20 =	vimm.f32 $0.0e+00;
	v21 =	vimm.f32 $0.0e+00;
	s3 =	simm.s32 $0x0;
	[sflag:s26] =	ssyncadd.s32 $0xFFFFFD80  }
.LBB2_2:
0x31: {  	_ =	swait.ge [sflag:s29], $0x800  }
0x32: {  	[sflag:s29] =	ssyncset.done $0x0  }
0x33: {  	[sflag:s29] =	ssyncadd.s32 $0xFFFFF800  }
0x34: {  	_ =	swait.ge [sflag:s29], $0x1000  }
0x35: {  	[sflag:s29] =	ssyncset.done $0x0  }
0x36: {  	s4 =	simm.s32 $0x18A00;
	[sflag:s29] =	ssyncadd.s32 $0xFFFFF000  }
0x37: {  	v19 =	vld [tilespmem:s4+$0x50];
	_ =	sdelay $0x4  }
0x38: {  	v28 =	vld [tilespmem:s4+$0x40];
	[tilespmem:$0x1FF60] =	vst v19  }
0x39: {  	v19 =	vld [tilespmem:s4+$0x60];
	_ =	sdelay $0x4  }
0x3a: {  	[tilespmem:$0x1FF70] =	vst v19  }
0x3b: {  	v24 =	vld [tilespmem:s4+$0x20];
	_ =	sdelay $0x2  }
0x3c: {  	v25 =	vld [tilespmem:s4+$0x70]  }
0x3d: {  	s10 =	simm.s32 $0xA0;
	v26 =	vld [tilespmem:s4+$0x0]  }
0x3e: {  	s7 =	simm.s32 $0xC0;
	v36 =	vmov s10;
	s10 =	simm.s32 $0x40;
	v23 =	vld [tilespmem:s4+$0x10];
	[tilespmem:$0x1FF40] =	vst v24  }
0x3f: {  	v22 =	vmov s7;
	v51 =	vmov s10;
	v24 =	vld [tilespmem:s4+$0x30]  }
0x40: {  	v22 =	vshrl.u32 v22, $0x7;
	v51 =	vshrl.u32 v51, $0x7  }
0x41: {  	v61 =	vshll.u32 v22, v0;
	v51 =	vshll.u32 v51, v0  }
0x42: {  	s5 =	simm.s32 $0xF0;
	s8 =	simm.s32 $0xD0;
	s11 =	simm.s32 $0x80;
	v42 =	vbroadcast v61, $0x0;
	v51 =	vbroadcast v51, $0x0  }
0x43: {  	v31 =	vmov s8;
	v33 =	vmov s11;
	v19 =	vmov s5  }
0x44: {  	s9 =	simm.s32 $0x90;
	s8 =	simm.s32 $0xE0;
	v63 =	vor.u32 v2, v42;
	v55 =	vor.u32 v2, v51;
	v19 =	vshrl.u32 v19, $0x7;
	v2 =	vld [tilespmem:$0x1FF40];
	[tilespmem:$0x1FF50] =	vst v24  }
0x45: {  	v35 =	vmov s9;
	s11 =	simm.s32 $0xB0;
	v32 =	vmov s8;
	v19 =	vshll.u32 v19, v0;
	v34 =	vld [tilespmem:s4+$0xFFFFFFC0]  }
0x46: {  	v37 =	vmov s11;
	v38 =	vshrl.u32 v32, $0x7;
	v40 =	vbroadcast v19, $0x0;
	v32 =	vld [tilespmem:s4+$0xFFFFFFD0]  }
0x47: {  	v31 =	vshrl.u32 v31, $0x7;
	v33 =	vshrl.u32 v33, $0x7;
	v39 =	vshll.u32 v35, $0x1;
	v19 =	vld [tilespmem:s4+$0xFFFFFFE0]  }
0x48: {  	v41 =	vshll.u32 v36, $0x1;
	v31 =	vshll.u32 v31, v0;
	v43 =	vor.u32 v17, v40;
	v22 =	vld [tilespmem:s4+$0xFFFFFFF0]  }
0x49: {  	v44 =	vbroadcast v31, $0x0;
	v31 =	vshll.u32 v38, v0;
	v62 =	vor.u32 v7, v40;
	v35 =	vld [tilespmem:s4+$0xFFFFFF80]  }
0x4a: {  	v37 =	vshll.u32 v37, $0x1;
	v33 =	vshll.u32 v33, v0;
	v45 =	vbroadcast v31, $0x0;
	v36 =	vld [tilespmem:s4+$0xFFFFFF90]  }
0x4b: {  	v39 =	vand.u32 $0x7FFFFF00, v39;
	v46 =	vbroadcast v33, $0x0;
	v47 =	vor.u32 v4, v44;
	v31 =	vld [tilespmem:s4+$0xFFFFFFA0]  }
0x4c: {  	v41 =	vand.u32 $0x7FFFFF00, v41;
	v39 =	vbroadcast v39, $0x0;
	v48 =	vor.u32 v6, v45;
	v33 =	vld [tilespmem:s4+$0xFFFFFFB0]  }
0x4d: {  	v41 =	vbroadcast v41, $0x0;
	v37 =	vand.u32 $0x7FFFFF00, v37;
	v49 =	vor.u32 v10, v46;
	v43 =	vld.idx.msk [tilespmem:v43+s21+$0x0], $0xffff  }
0x4e: {  	v37 =	vbroadcast v37, $0x0;
	v50 =	vor.u32 v12, v39;
	v38 =	vld.idx.msk [tilespmem:v62+s21+$0x0], $0xffff  }
0x4f: {  	s11 =	simm.s32 $0x0;
	v52 =	vor.u32 v14, v41;
	v40 =	vld.idx.msk [tilespmem:v63+s21+$0x0], $0xffff  }
0x50: {  	v53 =	vmov s11;
	v54 =	vor.u32 v16, v37;
	v47 =	vld.idx.msk [tilespmem:v47+s21+$0x0], $0xffff  }
0x51: {  	v53 =	vshrl.u32 v53, $0x7;
	v42 =	vor.u32 v8, v42;
	v48 =	vld.idx.msk [tilespmem:v48+s21+$0x0], $0xffff  }
0x52: {  	v53 =	vshll.u32 v53, v0;
	v44 =	vor.u32 v3, v44;
	v49 =	vld.idx.msk [tilespmem:v49+s21+$0x0], $0xffff  }
0x53: {  	v53 =	vbroadcast v53, $0x0;
	v45 =	vor.u32 v5, v45;
	v50 =	vld.idx.msk [tilespmem:v50+s21+$0x0], $0xffff  }
0x54: {  	v52 =	vld.idx.msk [tilespmem:v52+s21+$0x0], $0xffff  }
0x55: {  	v56 =	vor.u32 v4, v53;
	v54 =	vld.idx.msk [tilespmem:v54+s21+$0x0], $0xffff  }
0x56: {  	v57 =	vor.u32 v6, v53;
	v42 =	vld.idx.msk [tilespmem:v42+s21+$0x0], $0xffff  }
0x57: {  	v58 =	vor.u32 v17, v53;
	v44 =	vld.idx.msk [tilespmem:v44+s21+$0x0], $0xffff  }
0x58: {  	v46 =	vor.u32 v9, v46;
	v45 =	vld.idx.msk [tilespmem:v45+s21+$0x0], $0xffff  }
0x59: {  	v39 =	vor.u32 v11, v39;
	v55 =	vld.idx.msk [tilespmem:v55+s21+$0x0], $0xffff  }
0x5a: {  	v41 =	vor.u32 v13, v41;
	v56 =	vld.idx.msk [tilespmem:v56+s21+$0x0], $0xffff  }
0x5b: {  	v37 =	vor.u32 v15, v37;
	v57 =	vld.idx.msk [tilespmem:v57+s21+$0x0], $0xffff  }
0x5c: {  	v59 =	vor.u32 v10, v53;
	v58 =	vld.idx.msk [tilespmem:v58+s21+$0x0], $0xffff  }
0x5d: {  	v60 =	vor.u32 v12, v53;
	v46 =	vld.idx.msk [tilespmem:v46+s21+$0x0], $0xffff  }
0x5e: {  	v61 =	vor.u32 v14, v53;
	v39 =	vld.idx.msk [tilespmem:v39+s21+$0x0], $0xffff  }
0x5f: {  	v51 =	vor.u32 v8, v51;
	v41 =	vld.idx.msk [tilespmem:v41+s21+$0x0], $0xffff  }
0x60: {  	v17 =	vor.u32 v5, v53;
	v37 =	vld.idx.msk [tilespmem:v37+s21+$0x0], $0xffff  }
0x61: {  	v27 =	vor.u32 v9, v53;
	v59 =	vld.idx.msk [tilespmem:v59+s21+$0x0], $0xffff  }
0x62: {  	v29 =	vor.u32 v11, v53;
	v60 =	vld.idx.msk [tilespmem:v60+s21+$0x0], $0xffff  }
0x63: {  	v30 =	vor.u32 v13, v53;
	v61 =	vld.idx.msk [tilespmem:v61+s21+$0x0], $0xffff  }
0x64: {  	v24 =	vor.u32 v7, v53;
	v51 =	vld.idx.msk [tilespmem:v51+s21+$0x0], $0xffff  }
0x65: {  	v62 =	vor.u32 v16, v53;
	v17 =	vld.idx.msk [tilespmem:v17+s21+$0x0], $0xffff  }
0x66: {  	v63 =	vor.u32 v3, v53;
	v27 =	vld.idx.msk [tilespmem:v27+s21+$0x0], $0xffff  }
0x67: {  	v53 =	vor.u32 v15, v53;
	v29 =	vld.idx.msk [tilespmem:v29+s21+$0x0], $0xffff  }
0x68: {  	v30 =	vld.idx.msk [tilespmem:v30+s21+$0x0], $0xffff  }
0x69: {  	v24 =	vld.idx.msk [tilespmem:v24+s21+$0x0], $0xffff  }
0x6a: {  	v62 =	vld.idx.msk [tilespmem:v62+s21+$0x0], $0xffff  }
0x6b: {  	v63 =	vld.idx.msk [tilespmem:v63+s21+$0x0], $0xffff  }
0x6c: {  	v53 =	vld.idx.msk [tilespmem:v53+s21+$0x0], $0xffff  }
0x6d: {  	v43 =	vld.idx.msk [tilespmem:v43+s6+$0x0], $0xffff  }
0x6e: {  	v38 =	vld.idx.msk [tilespmem:v38+s6+$0x0], $0xffff  }
0x6f: {  	v40 =	vld.idx.msk [tilespmem:v40+s6+$0x0], $0xffff  }
0x70: {  	v47 =	vld.idx.msk [tilespmem:v47+s6+$0x0], $0xffff  }
0x71: {  	v48 =	vld.idx.msk [tilespmem:v48+s6+$0x0], $0xffff  }
0x72: {  	v49 =	vld.idx.msk [tilespmem:v49+s6+$0x0], $0xffff  }
0x73: {  	v50 =	vld.idx.msk [tilespmem:v50+s6+$0x0], $0xffff  }
0x74: {  	v52 =	vld.idx.msk [tilespmem:v52+s6+$0x0], $0xffff  }
0x75: {  	v54 =	vld.idx.msk [tilespmem:v54+s6+$0x0], $0xffff  }
0x76: {  	v42 =	vld.idx.msk [tilespmem:v42+s6+$0x0], $0xffff  }
0x77: {  	v44 =	vld.idx.msk [tilespmem:v44+s6+$0x0], $0xffff  }
0x78: {  	v46 =	vld.idx.msk [tilespmem:v46+s6+$0x0], $0xffff  }
0x79: {  	v39 =	vld.idx.msk [tilespmem:v39+s6+$0x0], $0xffff  }
0x7a: {  	v55 =	vld.idx.msk [tilespmem:v55+s6+$0x0], $0xffff  }
0x7b: {  	v56 =	vld.idx.msk [tilespmem:v56+s6+$0x0], $0xffff  }
0x7c: {  	v57 =	vld.idx.msk [tilespmem:v57+s6+$0x0], $0xffff  }
0x7d: {  	v28 =	vmul.u32 $0x9, v28;
	v26 =	vmul.u32 $0x9, v26;
	v23 =	vmul.u32 $0x9, v23;
	v58 =	vld.idx.msk [tilespmem:v58+s6+$0x0], $0xffff  }
0x7e: {  	v51 =	vld.idx.msk [tilespmem:v51+s6+$0x0], $0xffff;
	v4 =	vmul.u32 $0x3, v42;
	v5 =	vmul.u32 $0x3, v46;
	v39 =	vmul.u32 $0x3, v39  }
0x7f: {  	v30 =	vld.idx.msk [tilespmem:v30+s6+$0x0], $0xffff  }
0x80: {  	v41 =	vld.idx.msk [tilespmem:v41+s6+$0x0], $0xffff;
	v28 =	vadd.s32 v28, v4;
	v26 =	vadd.s32 v26, v5;
	v23 =	vadd.s32 v23, v39  }
0x81: {  	v28 =	vadd.s32 v40, v28;
	v26 =	vadd.s32 v49, v26;
	v49 =	vadd.s32 v50, v23;
	v23 =	vld.idx.msk [tilespmem:v24+s6+$0x0], $0xffff  }
0x82: {  	v27 =	vld.idx.msk [tilespmem:v27+s6+$0x0], $0xffff  }
0x83: {  	v29 =	vld.idx.msk [tilespmem:v29+s6+$0x0], $0xffff  }
0x84: {  	v31 =	vmul.u32 $0x9, v31;
	v17 =	vld.idx.msk [tilespmem:v17+s6+$0x0], $0xffff;
	v30 =	vmul.u32 $0x3, v30  }
0x85: {  	v63 =	vld.idx.msk [tilespmem:v63+s6+$0x0], $0xffff  }
0x86: {  	v30 =	vadd.s32 v31, v30;
	v31 =	vmul.u32 $0x9, v22;
	v22 =	vld.idx.msk [tilespmem:v28+s28+$0x0], $0xffff;
	v28 =	vmul.u32 $0x3, v23  }
0x87: {  	v25 =	vmul.u32 $0x9, v25;
	v34 =	vmul.u32 $0x9, v34;
	v23 =	vld.idx.msk [tilespmem:v26+s28+$0x0], $0xffff  }
0x88: {  	v32 =	vmul.u32 $0x9, v32;
	v26 =	vadd.s32 v31, v28;
	v28 =	vmul.u32 $0x9, v2;
	v2 =	vld [tilespmem:$0x1FF50]  }
0x89: {  	v35 =	vmul.u32 $0x9, v35;
	v36 =	vmul.u32 $0x9, v36;
	v59 =	vld.idx.msk [tilespmem:v59+s6+$0x0], $0xffff;
	v38 =	vmul.u32 $0x3, v38  }
0x8a: {  	v51 =	vmul.u32 $0x3, v51;
	v17 =	vmul.u32 $0x3, v17;
	v4 =	vld.idx.msk [tilespmem:v53+s6+$0x0], $0xffff;
	v53 =	vmul.u32 $0x9, v19  }
0x8b: {  	v60 =	vld.idx.msk [tilespmem:v60+s6+$0x0], $0xffff;
	v27 =	vmul.u32 $0x3, v27;
	v29 =	vmul.u32 $0x3, v29;
	v25 =	vadd.s32 v25, v38  }
0x8c: {  	v37 =	vld.idx.msk [tilespmem:v37+s6+$0x0], $0xffff;
	v25 =	vadd.s32 v43, v25;
	v17 =	vadd.s32 v53, v17;
	v5 =	vmul.u32 $0x3, v63  }
0x8d: {  	v27 =	vadd.s32 v35, v27;
	v17 =	vadd.s32 v57, v17;
	v57 =	vmul.u32 $0x9, v2;
	v2 =	vld [tilespmem:$0x1FF60]  }
0x8e: {  	v50 =	vld.idx.msk [tilespmem:v61+s6+$0x0], $0xffff;
	v27 =	vadd.s32 v59, v27;
	v24 =	vadd.s32 v32, v5  }
0x8f: {  	v34 =	vadd.s32 v34, v51;
	v29 =	vadd.s32 v36, v29;
	v51 =	vld.idx.msk [tilespmem:v62+s6+$0x0], $0xffff;
	v24 =	vadd.s32 v56, v24  }
0x90: {  	v45 =	vld.idx.msk [tilespmem:v45+s6+$0x0], $0xffff;
	v29 =	vadd.s32 v60, v29  }
0x91: {  	v33 =	vmul.u32 $0x9, v33;
	v34 =	vadd.s32 v55, v34;
	v19 =	vld.idx.msk [tilespmem:v25+s28+$0x0], $0xffff;
	v25 =	vmul.u32 $0x3, v4  }
0x92: {  	v31 =	vmul.u32 $0x3, v41;
	v56 =	vadd.s32 v58, v26;
	v58 =	vmul.u32 $0x9, v2;
	v2 =	vld [tilespmem:$0x1FF70]  }
0x93: {  	v30 =	vadd.s32 v50, v30;
	v27 =	vld.idx.msk [tilespmem:v27+s28+$0x0], $0xffff;
	v55 =	vadd.s32 v33, v25  }
0x94: {  	v32 =	vadd.s32 v51, v55;
	v31 =	vadd.s32 v28, v31;
	v28 =	vld.idx.msk [tilespmem:v24+s28+$0x0], $0xffff;
	v24 =	vmul.u32 $0x3, v37  }
0x95: {  	v29 =	vld.idx.msk [tilespmem:v29+s28+$0x0], $0xffff;
	v31 =	vadd.s32 v52, v31  }
0x96: {  	v59 =	vmul.u32 $0x3, v44;
	v25 =	vld.idx.msk [tilespmem:v49+s28+$0x0], $0xffff;
	v24 =	vadd.s32 v57, v24  }
0x97: {  	v61 =	vmul.u32 $0x3, v45;
	v26 =	vld.idx.msk [tilespmem:v34+s28+$0x0], $0xffff;
	v24 =	vadd.s32 v54, v24;
	v60 =	vmul.u32 $0x9, v2  }
0x98: {  	v30 =	vld.idx.msk [tilespmem:v30+s28+$0x0], $0xffff;
	v35 =	vadd.s32 v58, v59  }
0x99: {  	v62 =	vld.idx.msk [tilespmem:v32+s28+$0x0], $0xffff;
	v36 =	vadd.s32 v47, v35;
	v34 =	vadd.s32 v60, v61  }
0x9a: {  	v32 =	vld.idx.msk [tilespmem:v31+s28+$0x0], $0xffff;
	v63 =	vadd.s32 v48, v34  }
0x9b: {  	v35 =	vld.idx.msk [tilespmem:v56+s28+$0x0], $0xffff  }
0x9c: {  	v33 =	vld.idx.msk [tilespmem:v24+s28+$0x0], $0xffff  }
0x9d: {  	v34 =	vld.idx.msk [tilespmem:v17+s28+$0x0], $0xffff  }
0x9e: {  	v40 =	vadd.f32 v27, v21;
	v39 =	vadd.f32 v29, v20;
	v31 =	vld.idx.msk [tilespmem:v36+s28+$0x0], $0xffff  }
0x9f: {  	s7 =	simm.s32 $0x0;
	s8 =	simm.s32 $0x18B00;
	s4 =	smul.u32 $0x60, s3;
	v18 =	vadd.f32 v30, v18;
	v17 =	vadd.f32 v62, v1;
	v29 =	vld.idx.msk [tilespmem:v63+s28+$0x0], $0xffff  }
.LBB2_3:
0xa0: {  	v24 =	vld [tilespmem:s8+$0x40]  }
0xa1: {  	v27 =	vld [tilespmem:s8+$0x60]  }
0xa2: {  	v1 =	vld [tilespmem:$0x1FF80]  }
0xa3: {  	v4 =	vld [tilespmem:$0x1FFB0]  }
0xa4: {  	v5 =	vld [tilespmem:$0x1FFC0]  }
0xa5: {  	s5 =	sadd.s32 $0x100, s5;
	v6 =	vld [tilespmem:$0x1FFD0]  }
0xa6: {  	v7 =	vld [tilespmem:$0x1FFE0];
	v21 =	vadd.f32 v28, v39;
	v28 =	vmov s5  }
0xa7: {  	v2 =	vld [tilespmem:$0x1FF90];
	v20 =	vadd.f32 v26, v40;
	s9 =	sadd.s32 $0xFFFFFFD0, s5;
	s10 =	sadd.s32 $0xFFFFFF90, s5;
	s11 =	sadd.s32 $0xFFFFFFA0, s5;
	v30 =	vshrl.u32 v28, $0x7  }
0xa8: {  	v3 =	vld [tilespmem:$0x1FFA0];
	v49 =	vmov s9;
	v50 =	vmov s10;
	v51 =	vmov s11;
	s10 =	sadd.s32 $0xFFFFFFB0, s5;
	s11 =	sadd.s32 $0xFFFFFFC0, s5  }
0xa9: {  	v26 =	vld [tilespmem:s8+$0x50];
	v36 =	vmov s10;
	v37 =	vmov s11;
	v38 =	vshll.u32 v30, v0  }
0xaa: {  	v30 =	vld [tilespmem:s8+$0xFFFFFFD0];
	v54 =	vshrl.u32 v50, $0x7;
	v18 =	vadd.f32 v34, v18;
	v17 =	vadd.f32 v35, v17  }
0xab: {  	v41 =	vshll.u32 v51, $0x1;
	v20 =	vadd.f32 v23, v20;
	v21 =	vadd.f32 v25, v21;
	v23 =	vld [tilespmem:s8+$0x70]  }
0xac: {  	s10 =	sadd.s32 $0xFFFFFF50, s5;
	v25 =	vld [tilespmem:s8+$0x0];
	v55 =	vbroadcast v38, $0x0;
	v56 =	vshll.u32 v36, $0x1;
	v37 =	vshll.u32 v37, $0x1  }
0xad: {  	v34 =	vld [tilespmem:s8+$0xFFFFFF90];
	v59 =	vshll.u32 v54, v0;
	v41 =	vand.u32 $0x7FFFFF00, v41;
	v51 =	vmov s10  }
0xae: {  	v36 =	vld [tilespmem:s8+$0xFFFFFFB0];
	v46 =	vbroadcast v59, $0x0;
	v41 =	vbroadcast v41, $0x0;
	v38 =	vand.u32 $0x7FFFFF00, v56  }
0xaf: {  	s9 =	sadd.s32 $0xFFFFFFE0, s5;
	v37 =	vand.u32 $0x7FFFFF00, v37;
	v48 =	vadd.f32 v33, v17;
	v17 =	vadd.f32 v22, v20;
	v22 =	vld [tilespmem:s8+$0x10]  }
0xb0: {  	v28 =	vadd.f32 v32, v18;
	v18 =	vadd.f32 v31, v21;
	v31 =	vmov s9;
	v32 =	vld [tilespmem:s8+$0xFFFFFFF0]  }
0xb1: {  	v51 =	vshrl.u32 v51, $0x7;
	v33 =	vshrl.u32 v49, $0x7;
	v53 =	vshrl.u32 v31, $0x7;
	v31 =	vld [tilespmem:s8+$0xFFFFFFE0]  }
0xb2: {  	s9 =	sadd.s32 $0xFFFFFFF0, s5;
	v58 =	vor.u32 v1, v55;
	v44 =	vor.u32 v4, v55;
	v21 =	vadd.f32 v19, v48;
	v19 =	vld [tilespmem:s8+$0x20]  }
0xb3: {  	v38 =	vbroadcast v38, $0x0;
	v52 =	vmov s9;
	v20 =	vadd.f32 v29, v28;
	v28 =	vld [tilespmem:s8+$0x30]  }
0xb4: {  	v33 =	vshll.u32 v33, v0;
	v49 =	vor.u32 v10, v46;
	v29 =	vld [tilespmem:s8+$0xFFFFFFC0];
	v35 =	vshrl.u32 v52, $0x7  }
0xb5: {  	v61 =	vor.u32 v12, v41;
	v42 =	vbroadcast v33, $0x0;
	v33 =	vld [tilespmem:s8+$0xFFFFFF80];
	v35 =	vshll.u32 v35, v0  }
0xb6: {  	v37 =	vbroadcast v37, $0x0;
	v46 =	vor.u32 v9, v46;
	v45 =	vbroadcast v35, $0x0;
	v35 =	vld [tilespmem:s8+$0xFFFFFFA0]  }
0xb7: {  	v51 =	vshll.u32 v51, v0;
	v52 =	vor.u32 v14, v38;
	v50 =	vld.idx.msk [tilespmem:v58+s21+$0x0], $0xffff  }
0xb8: {  	s11 =	sadd.s32 $0xFFFFFF10, s5;
	v51 =	vbroadcast v51, $0x0;
	v54 =	vor.u32 v16, v37;
	v44 =	vld.idx.msk [tilespmem:v44+s21+$0x0], $0xffff  }
0xb9: {  	v57 =	vshll.u32 v53, v0;
	v53 =	vmov s11;
	v38 =	vor.u32 v13, v38;
	v49 =	vld.idx.msk [tilespmem:v49+s21+$0x0], $0xffff  }
0xba: {  	v53 =	vshrl.u32 v53, $0x7;
	v63 =	vor.u32 v5, v51;
	v55 =	vld.idx.msk [tilespmem:v61+s21+$0x0], $0xffff  }
0xbb: {  	v43 =	vbroadcast v57, $0x0;
	v60 =	vor.u32 v5, v42;
	v53 =	vshll.u32 v53, v0;
	v46 =	vld.idx.msk [tilespmem:v46+s21+$0x0], $0xffff  }
0xbc: {  	v42 =	vor.u32 v8, v42;
	v53 =	vbroadcast v53, $0x0;
	v52 =	vld.idx.msk [tilespmem:v52+s21+$0x0], $0xffff  }
0xbd: {  	v47 =	vor.u32 v6, v43;
	v54 =	vld.idx.msk [tilespmem:v54+s21+$0x0], $0xffff  }
0xbe: {  	v43 =	vor.u32 v2, v43;
	v58 =	vor.u32 v1, v53;
	v1 =	vld.idx.msk [tilespmem:v38+s21+$0x0], $0xffff  }
0xbf: {  	v48 =	vor.u32 v7, v45;
	v62 =	vor.u32 v3, v45;
	v45 =	vld.idx.msk [tilespmem:v63+s21+$0x0], $0xffff  }
0xc0: {  	v40 =	vld.idx.msk [tilespmem:v60+s21+$0x0], $0xffff  }
0xc1: {  	v39 =	vor.u32 v11, v41;
	v42 =	vld.idx.msk [tilespmem:v42+s21+$0x0], $0xffff  }
0xc2: {  	v37 =	vor.u32 v15, v37;
	v47 =	vld.idx.msk [tilespmem:v47+s21+$0x0], $0xffff  }
0xc3: {  	v56 =	vor.u32 v6, v53;
	v43 =	vld.idx.msk [tilespmem:v43+s21+$0x0], $0xffff  }
0xc4: {  	v57 =	vor.u32 v7, v53;
	v48 =	vld.idx.msk [tilespmem:v48+s21+$0x0], $0xffff  }
0xc5: {  	v59 =	vld.idx.msk [tilespmem:v62+s21+$0x0], $0xffff  }
0xc6: {  	v5 =	vor.u32 v10, v53;
	v62 =	vld.idx.msk [tilespmem:v39+s21+$0x0], $0xffff  }
0xc7: {  	v61 =	vor.u32 v14, v53;
	v39 =	vld.idx.msk [tilespmem:v37+s21+$0x0], $0xffff  }
0xc8: {  	v38 =	vor.u32 v8, v51;
	v41 =	vld.idx.msk [tilespmem:v56+s21+$0x0], $0xffff  }
0xc9: {  	v63 =	vor.u32 v16, v53;
	v56 =	vld.idx.msk [tilespmem:v57+s21+$0x0], $0xffff  }
0xca: {  	v58 =	vld.idx.msk [tilespmem:v58+s21+$0x0], $0xffff  }
0xcb: {  	v51 =	vld.idx.msk [tilespmem:v5+s21+$0x0], $0xffff  }
0xcc: {  	v60 =	vor.u32 v12, v53;
	v61 =	vld.idx.msk [tilespmem:v61+s21+$0x0], $0xffff  }
0xcd: {  	v5 =	vld.idx.msk [tilespmem:v38+s21+$0x0], $0xffff  }
0xce: {  	v63 =	vld.idx.msk [tilespmem:v63+s21+$0x0], $0xffff  }
0xcf: {  	v37 =	vor.u32 v2, v53;
	v50 =	vld.idx.msk [tilespmem:v50+s6+$0x0], $0xffff  }
0xd0: {  	v2 =	vor.u32 v4, v53;
	v44 =	vld.idx.msk [tilespmem:v44+s6+$0x0], $0xffff  }
0xd1: {  	v4 =	vor.u32 v11, v53;
	v57 =	vld.idx.msk [tilespmem:v60+s21+$0x0], $0xffff  }
0xd2: {  	v46 =	vld.idx.msk [tilespmem:v46+s6+$0x0], $0xffff  }
0xd3: {  	v1 =	vld.idx.msk [tilespmem:v1+s6+$0x0], $0xffff  }
0xd4: {  	v6 =	vld.idx.msk [tilespmem:v37+s21+$0x0], $0xffff  }
0xd5: {  	v2 =	vld.idx.msk [tilespmem:v2+s21+$0x0], $0xffff  }
0xd6: {  	v60 =	vor.u32 v3, v53;
	v4 =	vld.idx.msk [tilespmem:v4+s21+$0x0], $0xffff  }
0xd7: {  	v3 =	vor.u32 v9, v53;
	v45 =	vld.idx.msk [tilespmem:v45+s6+$0x0], $0xffff  }
0xd8: {  	v38 =	vor.u32 v13, v53;
	v40 =	vld.idx.msk [tilespmem:v40+s6+$0x0], $0xffff  }
0xd9: {  	v42 =	vld.idx.msk [tilespmem:v42+s6+$0x0], $0xffff  }
0xda: {  	v43 =	vld.idx.msk [tilespmem:v43+s6+$0x0], $0xffff  }
0xdb: {  	v37 =	vor.u32 v15, v53;
	v53 =	vld.idx.msk [tilespmem:v60+s21+$0x0], $0xffff  }
0xdc: {  	v3 =	vld.idx.msk [tilespmem:v3+s21+$0x0], $0xffff  }
0xdd: {  	v60 =	vld.idx.msk [tilespmem:v38+s21+$0x0], $0xffff  }
0xde: {  	v38 =	vld.idx.msk [tilespmem:v47+s6+$0x0], $0xffff  }
0xdf: {  	v47 =	vld.idx.msk [tilespmem:v49+s6+$0x0], $0xffff  }
0xe0: {  	v49 =	vld.idx.msk [tilespmem:v52+s6+$0x0], $0xffff  }
0xe1: {  	v52 =	vld.idx.msk [tilespmem:v54+s6+$0x0], $0xffff  }
0xe2: {  	v54 =	vld.idx.msk [tilespmem:v59+s6+$0x0], $0xffff  }
0xe3: {  	v39 =	vld.idx.msk [tilespmem:v39+s6+$0x0], $0xffff  }
0xe4: {  	v41 =	vld.idx.msk [tilespmem:v41+s6+$0x0], $0xffff  }
0xe5: {  	v51 =	vld.idx.msk [tilespmem:v51+s6+$0x0], $0xffff  }
0xe6: {  	v59 =	vmul.u32 $0x9, v26;
	v26 =	vld.idx.msk [tilespmem:v61+s6+$0x0], $0xffff  }
0xe7: {  	v5 =	vld.idx.msk [tilespmem:v5+s6+$0x0], $0xffff  }
0xe8: {  	v7 =	vld.idx.msk [tilespmem:v37+s21+$0x0], $0xffff  }
0xe9: {  	v37 =	vld.idx.msk [tilespmem:v48+s6+$0x0], $0xffff  }
0xea: {  	v48 =	vld.idx.msk [tilespmem:v55+s6+$0x0], $0xffff  }
0xeb: {  	v24 =	vmul.u32 $0x9, v24;
	v55 =	vld.idx.msk [tilespmem:v56+s6+$0x0], $0xffff  }
0xec: {  	v25 =	vmul.u32 $0x9, v25;
	v23 =	vmul.u32 $0x9, v23;
	v36 =	vmul.u32 $0x9, v36;
	v56 =	vld.idx.msk [tilespmem:v58+s6+$0x0], $0xffff  }
0xed: {  	v22 =	vmul.u32 $0x9, v22;
	v61 =	vmul.u32 $0x9, v19;
	v19 =	vmul.u32 $0x9, v29;
	v58 =	vld.idx.msk [tilespmem:v62+s6+$0x0], $0xffff  }
0xee: {  	v29 =	vmul.u32 $0x9, v31;
	v31 =	vmul.u32 $0x9, v32;
	v32 =	vmul.u32 $0x3, v44;
	v6 =	vld.idx.msk [tilespmem:v6+s6+$0x0], $0xffff  }
0xef: {  	v1 =	vmul.u32 $0x3, v1;
	v62 =	vmul.u32 $0x9, v28;
	v28 =	vmul.u32 $0x9, v30;
	v4 =	vld.idx.msk [tilespmem:v4+s6+$0x0], $0xffff  }
0xf0: {  	v30 =	vmul.u32 $0x9, v33;
	v33 =	vmul.u32 $0x9, v34;
	v34 =	vmul.u32 $0x9, v35;
	v2 =	vld.idx.msk [tilespmem:v2+s6+$0x0], $0xffff  }
0xf1: {  	v35 =	vmul.u32 $0x3, v42;
	v23 =	vadd.s32 v23, v32;
	v1 =	vadd.s32 v61, v1;
	v3 =	vld.idx.msk [tilespmem:v3+s6+$0x0], $0xffff  }
0xf2: {  	v23 =	vadd.s32 v50, v23;
	v5 =	vmul.u32 $0x3, v5;
	v42 =	vld.idx.msk [tilespmem:v60+s6+$0x0], $0xffff;
	v60 =	vmul.u32 $0x3, v46  }
0xf3: {  	v57 =	vld.idx.msk [tilespmem:v57+s6+$0x0], $0xffff;
	v24 =	vadd.s32 v24, v35;
	v1 =	vadd.s32 v49, v1;
	v46 =	vmul.u32 $0x3, v58  }
0xf4: {  	v24 =	vadd.s32 v40, v24;
	v5 =	vadd.s32 v19, v5;
	v7 =	vld.idx.msk [tilespmem:v7+s6+$0x0], $0xffff;
	v25 =	vadd.s32 v25, v60  }
0xf5: {  	v50 =	vld.idx.msk [tilespmem:v53+s6+$0x0], $0xffff;
	v6 =	vmul.u32 $0x3, v6;
	v22 =	vadd.s32 v22, v46;
	v25 =	vadd.s32 v47, v25  }
0xf6: {  	v53 =	vld.idx.msk [tilespmem:v63+s6+$0x0], $0xffff;
	v5 =	vadd.s32 v45, v5;
	v4 =	vmul.u32 $0x3, v4;
	v58 =	vadd.s32 v48, v22  }
0xf7: {  	v19 =	vld.idx.msk [tilespmem:v23+s28+$0x0], $0xffff;
	v2 =	vmul.u32 $0x3, v2;
	v6 =	vadd.s32 v28, v6;
	v3 =	vmul.u32 $0x3, v3  }
0xf8: {  	v32 =	vld.idx.msk [tilespmem:v1+s28+$0x0], $0xffff;
	v4 =	vadd.s32 v33, v4;
	v28 =	vmul.u32 $0x3, v42;
	v6 =	vadd.s32 v41, v6  }
0xf9: {  	v22 =	vld.idx.msk [tilespmem:v24+s28+$0x0], $0xffff;
	v4 =	vadd.s32 v57, v4;
	v3 =	vadd.s32 v30, v3;
	v7 =	vmul.u32 $0x3, v7  }
0xfa: {  	v24 =	vadd.s32 v34, v28;
	v28 =	vmul.u32 $0x3, v50;
	v3 =	vadd.s32 v51, v3;
	v23 =	vld.idx.msk [tilespmem:v25+s28+$0x0], $0xffff  }
0xfb: {  	v2 =	vadd.s32 v31, v2;
	v24 =	vadd.s32 v26, v24;
	v25 =	vld.idx.msk [tilespmem:v58+s28+$0x0], $0xffff;
	v7 =	vadd.s32 v36, v7  }
0xfc: {  	v26 =	vld.idx.msk [tilespmem:v5+s28+$0x0], $0xffff;
	v60 =	vadd.s32 v29, v28;
	v29 =	vmul.u32 $0x3, v43;
	v7 =	vadd.s32 v53, v7  }
0xfd: {  	v27 =	vmul.u32 $0x9, v27;
	v2 =	vadd.s32 v56, v2;
	v30 =	vmul.u32 $0x3, v54;
	v28 =	vld.idx.msk [tilespmem:v6+s28+$0x0], $0xffff  }
0xfe: {  	v5 =	vadd.s32 v55, v60;
	v6 =	vmul.u32 $0x3, v39;
	v4 =	vld.idx.msk [tilespmem:v4+s28+$0x0], $0xffff;
	v29 =	vadd.s32 v59, v29  }
0xff: {  	v27 =	vadd.s32 v27, v30;
	v29 =	vadd.s32 v38, v29;
	v3 =	vld.idx.msk [tilespmem:v3+s28+$0x0], $0xffff  }
0x100: {  	s7 =	sadd.s32 $0x4, s7;
	v63 =	vadd.s32 v37, v27;
	v6 =	vadd.s32 v62, v6;
	v24 =	vld.idx.msk [tilespmem:v24+s28+$0x0], $0xffff  }
0x101: {  	p1 =	slt.u32 s7, $0x1C;
	v6 =	vadd.s32 v52, v6;
	v7 =	vld.idx.msk [tilespmem:v7+s28+$0x0], $0xffff  }
.Ltmp0:
0x102: {  	v35 =	vld.idx.msk [tilespmem:v2+s28+$0x0], $0xffff;
	(pc) =	sbr.rel @p1 .LBB2_3-.Ltmp0, $4  }
0x103: {  	v34 =	vld.idx.msk [tilespmem:v5+s28+$0x0], $0xffff  }
0x104: {  	v31 =	vld.idx.msk [tilespmem:v29+s28+$0x0], $0xffff  }
0x105: {  	v39 =	vadd.f32 v4, v18;
	v29 =	vld.idx.msk [tilespmem:v63+s28+$0x0], $0xffff;
	v40 =	vadd.f32 v3, v17  }
0x106: {  	s8 =	sadd.s32 $0x100, s8;
	v33 =	vld.idx.msk [tilespmem:v6+s28+$0x0], $0xffff;
	v18 =	vadd.f32 v24, v20;
	v17 =	vadd.f32 v7, v21  }
0x107: {  	s5 =	sadd.s32 s13, s4  }
0x108: {  	p1 =	slt.s32 s5, $0xC34  }
0x109: {  	s5 =	simm.s32 @!p1 $0xC34  }
0x10a: {  	s7 =	sshll.u32 s5, $0x8  }
0x10b: {  	s5 =	sshll.u32 s5, $0x9;
	s7 =	sadd.s32 s1, s7  }
0x10c: {  	[tilespmem:s20], [sflag:$0x1] =	stream.linear.gather [hbm4b:s7+s6], $0x800, $0x38;
	[tilespmem:$0x1EA70] =	vst v63  }
0x10d: {  	s5 =	sadd.s32 s2, s5  }
0x10e: {  	[tilespmem:s21], [sflag:$0x1] =	stream.linear.gather [hbm4b:s5+s6], $0x1000, $0x38;
	[tilespmem:$0x1EA70] =	vst v63  }
0x10f: {  	_ =	swait.ge [sflag:s30], $0x800  }
0x110: {  	[sflag:s30] =	ssyncset.done $0x0  }
0x111: {  	[sflag:s30] =	ssyncadd.s32 $0xFFFFF800  }
0x112: {  	_ =	swait.ge [sflag:s30], $0x1000  }
0x113: {  	[sflag:s30] =	ssyncset.done $0x0  }
0x114: {  	s5 =	simm.s32 $0x19200;
	[sflag:s30] =	ssyncadd.s32 $0xFFFFF000  }
0x115: {  	v1 =	vld [tilespmem:s5+$0x40];
	_ =	sdelay $0x4  }
0x116: {  	[tilespmem:$0x1FE80] =	vst v1  }
0x117: {  	v1 =	vld [tilespmem:s5+$0x50];
	_ =	sdelay $0x4  }
0x118: {  	[tilespmem:$0x1FF20] =	vst v1  }
0x119: {  	v1 =	vld [tilespmem:s5+$0x60];
	_ =	sdelay $0x4  }
0x11a: {  	[tilespmem:$0x1FF30] =	vst v1  }
0x11b: {  	v1 =	vld [tilespmem:s5+$0x70];
	_ =	sdelay $0x4  }
0x11c: {  	[tilespmem:$0x1FE70] =	vst v1  }
0x11d: {  	v2 =	vld [tilespmem:s5+$0x0];
	_ =	sdelay $0x4  }
0x11e: {  	[tilespmem:$0x1FE90] =	vst v2  }
0x11f: {  	v5 =	vld [tilespmem:s5+$0x10];
	_ =	sdelay $0x4  }
0x120: {  	[tilespmem:$0x1FEA0] =	vst v5  }
0x121: {  	v7 =	vld [tilespmem:s5+$0x20];
	_ =	sdelay $0x4  }
0x122: {  	[tilespmem:$0x1FEF0] =	vst v7  }
0x123: {  	v21 =	vld [tilespmem:s5+$0x30];
	_ =	sdelay $0x4  }
0x124: {  	[tilespmem:$0x1FF10] =	vst v21  }
0x125: {  	v21 =	vld [tilespmem:s5+$0xFFFFFFD0];
	_ =	sdelay $0x4  }
0x126: {  	v49 =	vld [tilespmem:s5+$0xFFFFFFC0];
	[tilespmem:$0x1FEB0] =	vst v21  }
0x127: {  	v21 =	vld [tilespmem:s5+$0xFFFFFFE0];
	_ =	sdelay $0x4  }
0x128: {  	[tilespmem:$0x1FEC0] =	vst v21  }
0x129: {  	v21 =	vld [tilespmem:s5+$0xFFFFFFF0];
	_ =	sdelay $0x4  }
0x12a: {  	s11 =	simm.s32 $0xD0;
	s9 =	simm.s32 $0xE0;
	v30 =	vld [tilespmem:$0x1FFC0];
	[tilespmem:$0x1FF00] =	vst v21  }
0x12b: {  	s8 =	simm.s32 $0xC0;
	v3 =	vmov s11;
	v4 =	vmov s9;
	s11 =	simm.s32 $0x90;
	s9 =	simm.s32 $0xB0;
	v18 =	vadd.f32 v34, v18;
	v36 =	vld [tilespmem:s5+$0xFFFFFFA0]  }
0x12c: {  	s10 =	simm.s32 $0xF0;
	v6 =	vmov s11;
	v20 =	vmov s9;
	v48 =	vld [tilespmem:$0x1FFE0];
	v2 =	vmov s8;
	s8 =	simm.s32 $0xA0  }
0x12d: {  	v4 =	vshrl.u32 v4, $0x7;
	v1 =	vmov s10;
	v47 =	vmov s8;
	v21 =	vld [tilespmem:$0x1FF80]  }
0x12e: {  	v6 =	vshll.u32 v6, $0x1;
	v1 =	vshrl.u32 v1, $0x7;
	v7 =	vshll.u32 v47, $0x1;
	v47 =	vld [tilespmem:$0x1FFB0]  }
0x12f: {  	v20 =	vshll.u32 v20, $0x1;
	v4 =	vshll.u32 v4, v0;
	v1 =	vshll.u32 v1, v0;
	v50 =	vld [tilespmem:s5+$0xFFFFFF80]  }
0x130: {  	v18 =	vadd.f32 v32, v18;
	s10 =	simm.s32 $0x80;
	v1 =	vbroadcast v1, $0x0;
	v2 =	vshrl.u32 v2, $0x7;
	v51 =	vld [tilespmem:s5+$0xFFFFFF90];
	[tilespmem:$0x1FED0] =	vst v36  }
0x131: {  	v4 =	vbroadcast v4, $0x0;
	v46 =	vmov s10;
	v2 =	vshll.u32 v2, v0;
	v37 =	vld [tilespmem:s5+$0xFFFFFFB0]  }
0x132: {  	v2 =	vbroadcast v2, $0x0;
	v5 =	vshrl.u32 v46, $0x7;
	v24 =	vor.u32 v21, v1  }
0x133: {  	v6 =	vand.u32 $0x7FFFFF00, v6;
	v43 =	vld [tilespmem:$0x1FF90];
	v5 =	vshll.u32 v5, v0;
	v1 =	vor.u32 v47, v1  }
0x134: {  	v6 =	vbroadcast v6, $0x0;
	v45 =	vld [tilespmem:$0x1FFA0];
	v27 =	vor.u32 v30, v2;
	v5 =	vbroadcast v5, $0x0  }
0x135: {  	v18 =	vadd.f32 v29, v18;
	v53 =	vor.u32 v48, v4;
	v29 =	vld [tilespmem:$0x1FE90];
	v7 =	vand.u32 $0x7FFFFF00, v7  }
0x136: {  	v20 =	vand.u32 $0x7FFFFF00, v20;
	s10 =	simm.s32 $0x40;
	v54 =	vor.u32 v10, v5;
	v7 =	vbroadcast v7, $0x0;
	v36 =	vld [tilespmem:$0x1FFD0];
	[tilespmem:$0x1FEE0] =	vst v37  }
0x137: {  	s11 =	simm.s32 $0x0;
	v20 =	vbroadcast v20, $0x0;
	v55 =	vor.u32 v12, v6;
	v56 =	vmov s10;
	v42 =	vld.idx.msk [tilespmem:v24+s23+$0x0], $0xffff  }
0x138: {  	v58 =	vmov s11;
	v56 =	vshrl.u32 v56, $0x7;
	v57 =	vor.u32 v14, v7;
	v24 =	vld.idx.msk [tilespmem:v1+s23+$0x0], $0xffff  }
0x139: {  	v58 =	vshrl.u32 v58, $0x7;
	v59 =	vor.u32 v16, v20;
	v56 =	vshll.u32 v56, v0;
	v27 =	vld.idx.msk [tilespmem:v27+s23+$0x0], $0xffff  }
0x13a: {  	v58 =	vshll.u32 v58, v0;
	v56 =	vbroadcast v56, $0x0;
	v2 =	vor.u32 v8, v2;
	v53 =	vld.idx.msk [tilespmem:v53+s23+$0x0], $0xffff  }
0x13b: {  	v58 =	vbroadcast v58, $0x0;
	v4 =	vor.u32 v45, v4;
	v54 =	vld.idx.msk [tilespmem:v54+s23+$0x0], $0xffff  }
0x13c: {  	v60 =	vor.u32 v30, v56;
	v55 =	vld.idx.msk [tilespmem:v55+s23+$0x0], $0xffff  }
0x13d: {  	v62 =	vor.u32 v48, v58;
	v57 =	vld.idx.msk [tilespmem:v57+s23+$0x0], $0xffff  }
0x13e: {  	v63 =	vor.u32 v21, v58;
	v59 =	vld.idx.msk [tilespmem:v59+s23+$0x0], $0xffff  }
0x13f: {  	v5 =	vor.u32 v9, v5;
	v38 =	vld.idx.msk [tilespmem:v2+s23+$0x0], $0xffff  }
0x140: {  	v3 =	vshrl.u32 v3, $0x7;
	v6 =	vor.u32 v11, v6;
	v21 =	vld.idx.msk [tilespmem:v4+s23+$0x0], $0xffff  }
0x141: {  	v3 =	vshll.u32 v3, v0;
	v7 =	vor.u32 v13, v7;
	v60 =	vld.idx.msk [tilespmem:v60+s23+$0x0], $0xffff  }
0x142: {  	v3 =	vbroadcast v3, $0x0;
	v20 =	vor.u32 v15, v20;
	v62 =	vld.idx.msk [tilespmem:v62+s23+$0x0], $0xffff  }
0x143: {  	v56 =	vor.u32 v8, v56;
	v63 =	vld.idx.msk [tilespmem:v63+s23+$0x0], $0xffff  }
0x144: {  	v52 =	vor.u32 v36, v3;
	v30 =	vld.idx.msk [tilespmem:v5+s23+$0x0], $0xffff  }
0x145: {  	v3 =	vor.u32 v43, v3;
	v37 =	vld.idx.msk [tilespmem:v6+s23+$0x0], $0xffff  }
0x146: {  	v61 =	vor.u32 v36, v58;
	v7 =	vld.idx.msk [tilespmem:v7+s23+$0x0], $0xffff  }
0x147: {  	v1 =	vor.u32 v10, v58;
	v48 =	vld.idx.msk [tilespmem:v20+s23+$0x0], $0xffff  }
0x148: {  	v2 =	vor.u32 v12, v58;
	v56 =	vld.idx.msk [tilespmem:v56+s23+$0x0], $0xffff  }
0x149: {  	v20 =	vor.u32 v43, v58;
	v43 =	vor.u32 v45, v58;
	v52 =	vld.idx.msk [tilespmem:v52+s23+$0x0], $0xffff  }
0x14a: {  	v4 =	vor.u32 v9, v58;
	v36 =	vld.idx.msk [tilespmem:v3+s23+$0x0], $0xffff  }
0x14b: {  	v61 =	vld.idx.msk [tilespmem:v61+s23+$0x0], $0xffff;
	v3 =	vor.u32 v14, v58  }
0x14c: {  	v6 =	vor.u32 v16, v58;
	v41 =	vld.idx.msk [tilespmem:v1+s23+$0x0], $0xffff  }
0x14d: {  	v44 =	vld.idx.msk [tilespmem:v2+s23+$0x0], $0xffff  }
0x14e: {  	v43 =	vld.idx.msk [tilespmem:v43+s23+$0x0], $0xffff  }
0x14f: {  	v4 =	vld.idx.msk [tilespmem:v4+s23+$0x0], $0xffff  }
0x150: {  	v46 =	vld.idx.msk [tilespmem:v3+s23+$0x0], $0xffff  }
0x151: {  	v3 =	vor.u32 v47, v58;
	v47 =	vld.idx.msk [tilespmem:v6+s23+$0x0], $0xffff  }
0x152: {  	v6 =	vld.idx.msk [tilespmem:v20+s23+$0x0], $0xffff  }
0x153: {  	v2 =	vor.u32 v11, v58;
	v42 =	vld.idx.msk [tilespmem:v42+s6+$0x0], $0xffff  }
0x154: {  	v28 =	vadd.f32 v28, v39;
	v1 =	vor.u32 v13, v58;
	v38 =	vld.idx.msk [tilespmem:v38+s6+$0x0], $0xffff  }
0x155: {  	v34 =	vld.idx.msk [tilespmem:v63+s6+$0x0], $0xffff  }
0x156: {  	v25 =	vadd.f32 v25, v28;
	v28 =	vld.idx.msk [tilespmem:v37+s6+$0x0], $0xffff  }
0x157: {  	v7 =	vld.idx.msk [tilespmem:v7+s6+$0x0], $0xffff  }
0x158: {  	v2 =	vld.idx.msk [tilespmem:v2+s23+$0x0], $0xffff  }
0x159: {  	v5 =	vld.idx.msk [tilespmem:v1+s23+$0x0], $0xffff  }
0x15a: {  	v1 =	vld.idx.msk [tilespmem:v24+s6+$0x0], $0xffff  }
0x15b: {  	v20 =	vor.u32 v15, v58;
	v24 =	vld.idx.msk [tilespmem:v53+s6+$0x0], $0xffff  }
0x15c: {  	v53 =	vld.idx.msk [tilespmem:v55+s6+$0x0], $0xffff  }
0x15d: {  	v55 =	vld.idx.msk [tilespmem:v59+s6+$0x0], $0xffff  }
0x15e: {  	v61 =	vld.idx.msk [tilespmem:v61+s6+$0x0], $0xffff  }
0x15f: {  	v45 =	vld.idx.msk [tilespmem:v3+s23+$0x0], $0xffff  }
0x160: {  	v58 =	vld.idx.msk [tilespmem:v20+s23+$0x0], $0xffff;
	v20 =	vadd.f32 v26, v40  }
0x161: {  	v17 =	vadd.f32 v35, v17;
	v3 =	vld.idx.msk [tilespmem:v27+s6+$0x0], $0xffff  }
0x162: {  	v20 =	vadd.f32 v23, v20;
	v23 =	vld.idx.msk [tilespmem:v30+s6+$0x0], $0xffff  }
0x163: {  	v30 =	vadd.f32 v33, v17;
	v17 =	vadd.f32 v31, v25;
	v25 =	vld [tilespmem:$0x1FE70]  }
0x164: {  	v27 =	vld.idx.msk [tilespmem:v52+s6+$0x0], $0xffff  }
0x165: {  	v52 =	vld.idx.msk [tilespmem:v54+s6+$0x0], $0xffff  }
0x166: {  	v20 =	vadd.f32 v22, v20;
	v22 =	vld.idx.msk [tilespmem:v56+s6+$0x0], $0xffff  }
0x167: {  	v54 =	vld.idx.msk [tilespmem:v57+s6+$0x0], $0xffff  }
0x168: {  	v57 =	vld.idx.msk [tilespmem:v21+s6+$0x0], $0xffff;
	v1 =	vmul.u32 $0x3, v1;
	v25 =	vmul.u32 $0x9, v25  }
0x169: {  	v21 =	vld.idx.msk [tilespmem:v60+s6+$0x0], $0xffff  }
0x16a: {  	v1 =	vadd.s32 v25, v1;
	v25 =	vld [tilespmem:$0x1FE80]  }
0x16b: {  	v49 =	vmul.u32 $0x9, v49;
	v19 =	vadd.f32 v19, v30;
	v30 =	vld [tilespmem:$0x1FEA0];
	v22 =	vmul.u32 $0x3, v22  }
0x16c: {  	v26 =	vld.idx.msk [tilespmem:v62+s6+$0x0], $0xffff  }
0x16d: {  	v4 =	vld.idx.msk [tilespmem:v4+s6+$0x0], $0xffff;
	v22 =	vadd.s32 v49, v22  }
0x16e: {  	v21 =	vadd.s32 v21, v22;
	v22 =	vld [tilespmem:$0x1FEC0]  }
0x16f: {  	v29 =	vmul.u32 $0x9, v29;
	v63 =	vld.idx.msk [tilespmem:v41+s6+$0x0], $0xffff;
	v31 =	vmul.u32 $0x3, v38;
	v25 =	vmul.u32 $0x9, v25  }
0x170: {  	v28 =	vmul.u32 $0x3, v28;
	v6 =	vld.idx.msk [tilespmem:v6+s6+$0x0], $0xffff;
	v23 =	vmul.u32 $0x3, v23;
	v30 =	vmul.u32 $0x9, v30  }
0x171: {  	v2 =	vld.idx.msk [tilespmem:v2+s6+$0x0], $0xffff;
	v25 =	vadd.s32 v25, v31  }
0x172: {  	v23 =	vadd.s32 v29, v23;
	v29 =	vld [tilespmem:$0x1FEB0];
	v3 =	vadd.s32 v3, v25;
	v25 =	vadd.s32 v30, v28  }
0x173: {  	v23 =	vadd.s32 v52, v23;
	v52 =	vadd.s32 v53, v25;
	v25 =	vmul.u32 $0x9, v22;
	v22 =	vld [tilespmem:$0x1FED0]  }
0x174: {  	v5 =	vld.idx.msk [tilespmem:v5+s6+$0x0], $0xffff  }
0x175: {  	v56 =	vld.idx.msk [tilespmem:v45+s6+$0x0], $0xffff  }
0x176: {  	v4 =	vmul.u32 $0x3, v4;
	v28 =	vld.idx.msk [tilespmem:v58+s6+$0x0], $0xffff;
	v30 =	vmul.u32 $0x9, v50  }
0x177: {  	v6 =	vmul.u32 $0x3, v6;
	v50 =	vld.idx.msk [tilespmem:v43+s6+$0x0], $0xffff  }
0x178: {  	v29 =	vmul.u32 $0x9, v29;
	v4 =	vadd.s32 v30, v4;
	v30 =	vmul.u32 $0x9, v22;
	v22 =	vld [tilespmem:$0x1FEE0]  }
0x179: {  	v1 =	vadd.s32 v42, v1;
	v31 =	vmul.u32 $0x9, v51;
	v51 =	vld.idx.msk [tilespmem:v44+s6+$0x0], $0xffff  }
0x17a: {  	v2 =	vmul.u32 $0x3, v2;
	v6 =	vadd.s32 v29, v6;
	v29 =	vld.idx.msk [tilespmem:v47+s6+$0x0], $0xffff  }
0x17b: {  	v58 =	vld.idx.msk [tilespmem:v48+s6+$0x0], $0xffff  }
0x17c: {  	v6 =	vadd.s32 v61, v6;
	v61 =	vld [tilespmem:$0x1FF00];
	v2 =	vadd.s32 v31, v2  }
0x17d: {  	v53 =	vld.idx.msk [tilespmem:v46+s6+$0x0], $0xffff;
	v28 =	vmul.u32 $0x3, v28;
	v33 =	vmul.u32 $0x3, v50;
	v31 =	vmul.u32 $0x9, v22  }
0x17e: {  	v22 =	vld.idx.msk [tilespmem:v1+s28+$0x0], $0xffff  }
0x17f: {  	v5 =	vmul.u32 $0x3, v5;
	v60 =	vadd.s32 v31, v28;
	v28 =	vadd.s32 v25, v33;
	v25 =	vld.idx.msk [tilespmem:v3+s28+$0x0], $0xffff  }
0x180: {  	v2 =	vadd.s32 v51, v2;
	v3 =	vld [tilespmem:$0x1FEF0]  }
0x181: {  	v1 =	vadd.s32 v30, v5;
	v35 =	vadd.s32 v26, v28;
	v26 =	vld.idx.msk [tilespmem:v23+s28+$0x0], $0xffff  }
0x182: {  	v5 =	vmul.u32 $0x9, v61;
	v39 =	vadd.s32 v29, v60;
	v23 =	vmul.u32 $0x3, v56;
	v29 =	vld [tilespmem:$0x1FF10]  }
0x183: {  	v36 =	vld.idx.msk [tilespmem:v36+s6+$0x0], $0xffff;
	v4 =	vadd.s32 v63, v4  }
0x184: {  	v5 =	vadd.s32 v5, v23;
	v23 =	vld [tilespmem:$0x1FF20]  }
0x185: {  	v33 =	vld.idx.msk [tilespmem:v2+s28+$0x0], $0xffff  }
0x186: {  	v7 =	vmul.u32 $0x3, v7;
	v1 =	vadd.s32 v53, v1;
	v2 =	vld [tilespmem:$0x1FF30]  }
0x187: {  	v3 =	vmul.u32 $0x9, v3;
	v30 =	vmul.u32 $0x9, v29;
	v29 =	vld.idx.msk [tilespmem:v21+s28+$0x0], $0xffff;
	v21 =	vmul.u32 $0x3, v58  }
0x188: {  	p1 =	slt.u32 s4, s14;
	s7 =	simm.f32 $1.000000000e+00;
	v62 =	vmul.u32 $0x3, v36;
	v32 =	vld.idx.msk [tilespmem:v4+s28+$0x0], $0xffff;
	v37 =	vadd.s32 v34, v5  }
0x189: {  	s7 =	simm.s32 @!p1 $0x0;
	v31 =	vld.idx.msk [tilespmem:v6+s28+$0x0], $0xffff;
	v3 =	vadd.s32 v3, v7;
	v23 =	vmul.u32 $0x9, v23;
	v63 =	vadd.s32 v30, v21  }
0x18a: {  	v28 =	vld.idx.msk [tilespmem:v52+s28+$0x0], $0xffff;
	v38 =	vadd.s32 v54, v3;
	v21 =	vmov s7;
	v30 =	vmul.u32 $0x3, v57  }
0x18b: {  	s8 =	simm.s32 $0x1F0;
	v34 =	vld.idx.msk [tilespmem:v1+s28+$0x0], $0xffff;
	s7 =	simm.s32 $0x0;
	v36 =	vadd.s32 v55, v63;
	v40 =	vadd.s32 v23, v62;
	v23 =	vmul.u32 $0x9, v2  }
.LBB2_5:
0x18c: {  	_ =	sdelay $0x2  }
0x18d: {  	v2 =	vld.idx.msk [tilespmem:v39+s28+$0x0], $0xffff  }
0x18e: {  	v6 =	vld.idx.msk [tilespmem:v35+s28+$0x0], $0xffff  }
0x18f: {  	v8 =	vld [tilespmem:$0x1FF80]  }
0x190: {  	v60 =	vld [tilespmem:$0x1FFB0]  }
0x191: {  	s5 =	sadd.s32 $0x100, s5;
	v61 =	vld [tilespmem:$0x1FFF0]  }
0x192: {  	v49 =	vmul.f32 v22, v21;
	v22 =	vld [tilespmem:s5+$0x40]  }
0x193: {  	v35 =	vld [tilespmem:s5+$0xFFFFFFF0]  }
0x194: {  	v4 =	vadd.s32 v23, v30;
	v39 =	vld [tilespmem:s5+$0xFFFFFFB0]  }
0x195: {  	v4 =	vadd.s32 v24, v4;
	v24 =	vld.idx.msk [tilespmem:v37+s28+$0x0], $0xffff  }
0x196: {  	v1 =	vmov s8;
	v3 =	vadd.s32 v27, v40;
	s10 =	sadd.s32 $0xFFFFFFE0, s8;
	s11 =	sadd.s32 $0xFFFFFFF0, s8;
	v23 =	vmul.f32 v32, v21;
	v32 =	vld [tilespmem:s5+$0xFFFFFFC0]  }
0x197: {  	s9 =	sadd.s32 $0xFFFFFFD0, s8;
	v27 =	vmul.f32 v25, v21;
	v7 =	vmov s10;
	s10 =	sadd.s32 $0xFFFFFF90, s8;
	v50 =	vmov s11;
	v37 =	vld [tilespmem:s5+$0xFFFFFF90]  }
0x198: {  	v5 =	vmov s9;
	s11 =	sadd.s32 $0xFFFFFFA0, s8;
	v52 =	vmov s10;
	v56 =	vshrl.u32 v50, $0x7;
	v50 =	vld [tilespmem:$0x1FFC0]  }
0x199: {  	v1 =	vshrl.u32 v1, $0x7;
	v53 =	vmov s11;
	v57 =	vshrl.u32 v52, $0x7;
	v52 =	vld [tilespmem:$0x1FFE0]  }
0x19a: {  	s10 =	sadd.s32 $0xFFFFFFB0, s8;
	v1 =	vshll.u32 v1, v0;
	v30 =	vmul.f32 v26, v21;
	v51 =	vmul.f32 v28, v21;
	v26 =	vld.idx.msk [tilespmem:v38+s28+$0x0], $0xffff  }
0x19b: {  	v54 =	vmov s10;
	v28 =	vmul.f32 v29, v21;
	v29 =	vmul.f32 v31, v21;
	v31 =	vld.idx.msk [tilespmem:v36+s28+$0x0], $0xffff  }
0x19c: {  	v58 =	vshll.u32 v53, $0x1;
	v1 =	vbroadcast v1, $0x0;
	v20 =	vadd.f32 v23, v20;
	v23 =	vld [tilespmem:s5+$0x50]  }
0x19d: {  	s10 =	sadd.s32 $0xFFFFFF50, s8;
	v25 =	vmul.f32 v33, v21;
	v55 =	vmul.f32 v34, v21;
	v33 =	vld [tilespmem:s5+$0xFFFFFFD0];
	v59 =	vshll.u32 v54, $0x1  }
0x19e: {  	v34 =	vld [tilespmem:s5+$0xFFFFFFE0];
	v45 =	vmov s10;
	v2 =	vmul.f32 v2, v21;
	v6 =	vmul.f32 v6, v21  }
0x19f: {  	v3 =	vld.idx.msk [tilespmem:v3+s28+$0x0], $0xffff;
	v45 =	vshrl.u32 v45, $0x7;
	v17 =	vadd.f32 v25, v17;
	v18 =	vadd.f32 v55, v18  }
0x1a0: {  	v36 =	vld [tilespmem:s5+$0xFFFFFF80];
	v20 =	vadd.f32 v28, v20;
	v2 =	vadd.f32 v2, v19;
	v19 =	vmul.f32 v24, v21  }
0x1a1: {  	v45 =	vshll.u32 v45, v0;
	v4 =	vld.idx.msk [tilespmem:v4+s28+$0x0], $0xffff;
	v17 =	vadd.f32 v29, v17;
	v6 =	vadd.f32 v6, v18  }
0x1a2: {  	v38 =	vld [tilespmem:s5+$0xFFFFFFA0];
	v24 =	vmul.f32 v26, v21;
	v2 =	vadd.f32 v19, v2;
	v18 =	vmul.f32 v31, v21  }
0x1a3: {  	v25 =	vld [tilespmem:s5+$0x60];
	v45 =	vbroadcast v45, $0x0;
	v19 =	vadd.f32 v30, v20;
	v17 =	vadd.f32 v51, v17  }
0x1a4: {  	s11 =	sadd.s32 $0xFFFFFFC0, s8;
	v28 =	vld [tilespmem:s5+$0x0];
	v3 =	vmul.f32 v3, v21;
	v6 =	vadd.f32 v24, v6;
	v2 =	vadd.f32 v18, v2  }
0x1a5: {  	v29 =	vld [tilespmem:s5+$0x10];
	v24 =	vmov s11;
	v20 =	vadd.f32 v27, v19;
	v27 =	vor.u32 v8, v1  }
0x1a6: {  	v26 =	vld [tilespmem:s5+$0x70];
	v1 =	vor.u32 v60, v1;
	v4 =	vmul.f32 v4, v21;
	v17 =	vadd.f32 v3, v17  }
0x1a7: {  	v30 =	vld [tilespmem:s5+$0x20];
	v3 =	vshrl.u32 v7, $0x7;
	v24 =	vshll.u32 v24, $0x1;
	v7 =	vand.u32 $0x7FFFFF00, v59  }
0x1a8: {  	v51 =	vld [tilespmem:$0x1FFD0];
	v19 =	vadd.f32 v49, v2;
	v2 =	vshrl.u32 v5, $0x7;
	v7 =	vbroadcast v7, $0x0  }
0x1a9: {  	v31 =	vld [tilespmem:s5+$0x30];
	v18 =	vadd.f32 v4, v6;
	v4 =	vshll.u32 v56, v0;
	v56 =	vor.u32 v50, v45  }
0x1aa: {  	v59 =	vld [tilespmem:$0x1FFA0];
	v3 =	vshll.u32 v3, v0;
	v5 =	vshll.u32 v57, v0;
	v45 =	vor.u32 v61, v45  }
0x1ab: {  	v3 =	vbroadcast v3, $0x0;
	v6 =	vand.u32 $0x7FFFFF00, v58;
	v58 =	vld [tilespmem:$0x1FF90];
	v46 =	vor.u32 v14, v7  }
0x1ac: {  	v24 =	vand.u32 $0x7FFFFF00, v24;
	v5 =	vbroadcast v5, $0x0;
	v7 =	vor.u32 v13, v7;
	v27 =	vld.idx.msk [tilespmem:v27+s23+$0x0], $0xffff  }
0x1ad: {  	v24 =	vbroadcast v24, $0x0;
	v41 =	vor.u32 v51, v3;
	v1 =	vld.idx.msk [tilespmem:v1+s23+$0x0], $0xffff  }
0x1ae: {  	v43 =	vor.u32 v10, v5;
	v53 =	vld.idx.msk [tilespmem:v56+s23+$0x0], $0xffff  }
0x1af: {  	v2 =	vshll.u32 v2, v0;
	v48 =	vor.u32 v16, v24;
	v45 =	vld.idx.msk [tilespmem:v45+s23+$0x0], $0xffff  }
0x1b0: {  	v2 =	vbroadcast v2, $0x0;
	v5 =	vor.u32 v9, v5;
	v46 =	vld.idx.msk [tilespmem:v46+s23+$0x0], $0xffff  }
0x1b1: {  	s11 =	sadd.s32 $0xFFFFFF10, s8;
	v4 =	vbroadcast v4, $0x0;
	v24 =	vor.u32 v15, v24;
	v7 =	vld.idx.msk [tilespmem:v7+s23+$0x0], $0xffff  }
0x1b2: {  	v55 =	vmov s11;
	v6 =	vbroadcast v6, $0x0;
	v63 =	vor.u32 v50, v2;
	v41 =	vld.idx.msk [tilespmem:v41+s23+$0x0], $0xffff  }
0x1b3: {  	v40 =	vshrl.u32 v55, $0x7;
	v42 =	vor.u32 v52, v4;
	v43 =	vld.idx.msk [tilespmem:v43+s23+$0x0], $0xffff  }
0x1b4: {  	v40 =	vshll.u32 v40, v0;
	v44 =	vor.u32 v12, v6;
	v48 =	vld.idx.msk [tilespmem:v48+s23+$0x0], $0xffff  }
0x1b5: {  	v49 =	vbroadcast v40, $0x0;
	v2 =	vor.u32 v61, v2;
	v5 =	vld.idx.msk [tilespmem:v5+s23+$0x0], $0xffff  }
0x1b6: {  	v4 =	vor.u32 v59, v4;
	v40 =	vld.idx.msk [tilespmem:v24+s23+$0x0], $0xffff  }
0x1b7: {  	v57 =	vor.u32 v51, v49;
	v47 =	vld.idx.msk [tilespmem:v63+s23+$0x0], $0xffff  }
0x1b8: {  	v62 =	vor.u32 v52, v49;
	v42 =	vld.idx.msk [tilespmem:v42+s23+$0x0], $0xffff  }
0x1b9: {  	v6 =	vor.u32 v11, v6;
	v44 =	vld.idx.msk [tilespmem:v44+s23+$0x0], $0xffff  }
0x1ba: {  	v54 =	vor.u32 v10, v49;
	v2 =	vld.idx.msk [tilespmem:v2+s23+$0x0], $0xffff  }
0x1bb: {  	v55 =	vor.u32 v12, v49;
	v4 =	vld.idx.msk [tilespmem:v4+s23+$0x0], $0xffff  }
0x1bc: {  	v3 =	vor.u32 v58, v3;
	v50 =	vld.idx.msk [tilespmem:v57+s23+$0x0], $0xffff  }
0x1bd: {  	v56 =	vor.u32 v14, v49;
	v51 =	vld.idx.msk [tilespmem:v62+s23+$0x0], $0xffff  }
0x1be: {  	v6 =	vld.idx.msk [tilespmem:v6+s23+$0x0], $0xffff  }
0x1bf: {  	v54 =	vld.idx.msk [tilespmem:v54+s23+$0x0], $0xffff  }
0x1c0: {  	v63 =	vor.u32 v8, v49;
	v55 =	vld.idx.msk [tilespmem:v55+s23+$0x0], $0xffff  }
0x1c1: {  	v57 =	vor.u32 v16, v49;
	v3 =	vld.idx.msk [tilespmem:v3+s23+$0x0], $0xffff  }
0x1c2: {  	v24 =	vor.u32 v58, v49;
	v56 =	vld.idx.msk [tilespmem:v56+s23+$0x0], $0xffff  }
0x1c3: {  	v58 =	vor.u32 v59, v49;
	v8 =	vld.idx.msk [tilespmem:v27+s6+$0x0], $0xffff  }
0x1c4: {  	v59 =	vor.u32 v60, v49;
	v1 =	vld.idx.msk [tilespmem:v1+s6+$0x0], $0xffff  }
0x1c5: {  	v60 =	vor.u32 v9, v49;
	v52 =	vld.idx.msk [tilespmem:v63+s23+$0x0], $0xffff  }
0x1c6: {  	v61 =	vor.u32 v11, v49;
	v57 =	vld.idx.msk [tilespmem:v57+s23+$0x0], $0xffff  }
0x1c7: {  	v62 =	vor.u32 v13, v49;
	v63 =	vld.idx.msk [tilespmem:v24+s23+$0x0], $0xffff  }
0x1c8: {  	v24 =	vor.u32 v15, v49;
	v49 =	vld.idx.msk [tilespmem:v58+s23+$0x0], $0xffff  }
0x1c9: {  	v58 =	vld.idx.msk [tilespmem:v59+s23+$0x0], $0xffff  }
0x1ca: {  	v59 =	vld.idx.msk [tilespmem:v60+s23+$0x0], $0xffff  }
0x1cb: {  	v60 =	vld.idx.msk [tilespmem:v61+s23+$0x0], $0xffff  }
0x1cc: {  	v61 =	vld.idx.msk [tilespmem:v62+s23+$0x0], $0xffff  }
0x1cd: {  	v7 =	vld.idx.msk [tilespmem:v7+s6+$0x0], $0xffff  }
0x1ce: {  	v27 =	vld.idx.msk [tilespmem:v41+s6+$0x0], $0xffff  }
0x1cf: {  	v41 =	vld.idx.msk [tilespmem:v43+s6+$0x0], $0xffff  }
0x1d0: {  	v43 =	vld.idx.msk [tilespmem:v46+s6+$0x0], $0xffff  }
0x1d1: {  	v46 =	vld.idx.msk [tilespmem:v53+s6+$0x0], $0xffff  }
0x1d2: {  	v5 =	vld.idx.msk [tilespmem:v5+s6+$0x0], $0xffff  }
0x1d3: {  	v47 =	vld.idx.msk [tilespmem:v47+s6+$0x0], $0xffff  }
0x1d4: {  	v2 =	vld.idx.msk [tilespmem:v2+s6+$0x0], $0xffff  }
0x1d5: {  	v4 =	vld.idx.msk [tilespmem:v4+s6+$0x0], $0xffff  }
0x1d6: {  	v6 =	vld.idx.msk [tilespmem:v6+s6+$0x0], $0xffff  }
0x1d7: {  	v53 =	vld.idx.msk [tilespmem:v55+s6+$0x0], $0xffff  }
0x1d8: {  	v62 =	vld.idx.msk [tilespmem:v24+s23+$0x0], $0xffff  }
0x1d9: {  	v24 =	vld.idx.msk [tilespmem:v42+s6+$0x0], $0xffff  }
0x1da: {  	v42 =	vld.idx.msk [tilespmem:v44+s6+$0x0], $0xffff  }
0x1db: {  	v44 =	vld.idx.msk [tilespmem:v48+s6+$0x0], $0xffff  }
0x1dc: {  	v48 =	vld.idx.msk [tilespmem:v50+s6+$0x0], $0xffff  }
0x1dd: {  	v50 =	vld.idx.msk [tilespmem:v51+s6+$0x0], $0xffff  }
0x1de: {  	v55 =	vld.idx.msk [tilespmem:v56+s6+$0x0], $0xffff  }
0x1df: {  	v51 =	vld.idx.msk [tilespmem:v52+s6+$0x0], $0xffff  }
0x1e0: {  	v22 =	vmul.u32 $0x9, v22;
	v52 =	vld.idx.msk [tilespmem:v54+s6+$0x0], $0xffff  }
0x1e1: {  	v54 =	vmul.u32 $0x9, v23;
	v23 =	vmul.u32 $0x9, v25;
	v25 =	vmul.u32 $0x9, v26;
	v26 =	vld.idx.msk [tilespmem:v45+s6+$0x0], $0xffff  }
0x1e2: {  	v39 =	vmul.u32 $0x9, v39;
	v45 =	vmul.u32 $0x9, v31;
	v31 =	vmul.u32 $0x9, v32;
	v32 =	vld.idx.msk [tilespmem:v63+s6+$0x0], $0xffff  }
0x1e3: {  	v37 =	vmul.u32 $0x9, v37;
	v33 =	vmul.u32 $0x9, v33;
	v36 =	vmul.u32 $0x9, v36;
	v56 =	vld.idx.msk [tilespmem:v59+s6+$0x0], $0xffff  }
0x1e4: {  	v28 =	vmul.u32 $0x9, v28;
	v1 =	vmul.u32 $0x3, v1;
	v59 =	vmul.u32 $0x9, v35;
	v35 =	vld.idx.msk [tilespmem:v60+s6+$0x0], $0xffff  }
0x1e5: {  	v29 =	vmul.u32 $0x9, v29;
	v5 =	vmul.u32 $0x3, v5;
	v60 =	vld.idx.msk [tilespmem:v61+s6+$0x0], $0xffff;
	v6 =	vmul.u32 $0x3, v6  }
0x1e6: {  	v38 =	vmul.u32 $0x9, v38;
	v3 =	vld.idx.msk [tilespmem:v3+s6+$0x0], $0xffff;
	v2 =	vmul.u32 $0x3, v2;
	v1 =	vadd.s32 v25, v1  }
0x1e7: {  	v5 =	vadd.s32 v28, v5;
	v28 =	vld.idx.msk [tilespmem:v58+s6+$0x0], $0xffff;
	v6 =	vadd.s32 v29, v6;
	v1 =	vadd.s32 v8, v1  }
0x1e8: {  	v2 =	vadd.s32 v22, v2;
	v6 =	vadd.s32 v42, v6;
	v25 =	vld.idx.msk [tilespmem:v62+s6+$0x0], $0xffff;
	v8 =	vmul.u32 $0x3, v26  }
0x1e9: {  	v5 =	vadd.s32 v41, v5;
	v2 =	vadd.s32 v47, v2;
	v47 =	vld.idx.msk [tilespmem:v57+s6+$0x0], $0xffff;
	v22 =	vmul.u32 $0x3, v32  }
0x1ea: {  	v26 =	vld.idx.msk [tilespmem:v49+s6+$0x0], $0xffff;
	v29 =	vmul.u32 $0x3, v56;
	v56 =	vmul.u32 $0x3, v60;
	v8 =	vadd.s32 v31, v8  }
0x1eb: {  	v49 =	vld.idx.msk [tilespmem:v40+s6+$0x0], $0xffff;
	v31 =	vmul.u32 $0x3, v35;
	v22 =	vadd.s32 v33, v22;
	v8 =	vadd.s32 v46, v8  }
0x1ec: {  	v61 =	vmul.u32 $0x3, v28;
	v29 =	vadd.s32 v36, v29;
	v57 =	vadd.s32 v48, v22;
	v22 =	vld.idx.msk [tilespmem:v1+s28+$0x0], $0xffff  }
0x1ed: {  	v1 =	vadd.s32 v52, v29;
	v28 =	vld.idx.msk [tilespmem:v6+s28+$0x0], $0xffff;
	v29 =	vadd.s32 v37, v31;
	v31 =	vmul.u32 $0x3, v25  }
0x1ee: {  	s7 =	sadd.s32 $0x4, s7;
	v30 =	vmul.u32 $0x9, v30;
	v25 =	vld.idx.msk [tilespmem:v2+s28+$0x0], $0xffff;
	v2 =	vadd.s32 v53, v29;
	v29 =	vadd.s32 v38, v56  }
0x1ef: {  	p1 =	slt.u32 s7, $0x1C;
	v58 =	vmul.u32 $0x3, v26;
	v26 =	vld.idx.msk [tilespmem:v5+s28+$0x0], $0xffff;
	v60 =	vadd.s32 v55, v29;
	v29 =	vadd.s32 v39, v31  }
.Ltmp1:
0x1f0: {  	v7 =	vmul.u32 $0x3, v7;
	v3 =	vmul.u32 $0x3, v3;
	v39 =	vadd.s32 v47, v29;
	v29 =	vld.idx.msk [tilespmem:v8+s28+$0x0], $0xffff;
	(pc) =	sbr.rel @p1 .LBB2_5-.Ltmp1, $4  }
0x1f1: {  	v34 =	vmul.u32 $0x9, v34;
	v63 =	vadd.s32 v59, v61;
	v31 =	vld.idx.msk [tilespmem:v57+s28+$0x0], $0xffff;
	v8 =	vmul.u32 $0x3, v49  }
0x1f2: {  	v40 =	vadd.s32 v54, v3;
	v37 =	vadd.s32 v51, v63;
	v32 =	vld.idx.msk [tilespmem:v1+s28+$0x0], $0xffff;
	v1 =	vadd.s32 v30, v7  }
0x1f3: {  	v62 =	vadd.s32 v34, v58;
	v38 =	vadd.s32 v43, v1;
	v33 =	vld.idx.msk [tilespmem:v2+s28+$0x0], $0xffff;
	v1 =	vadd.s32 v45, v8  }
0x1f4: {  	s8 =	sadd.s32 $0x100, s8;
	v35 =	vadd.s32 v50, v62;
	v30 =	vmul.u32 $0x3, v4;
	v34 =	vld.idx.msk [tilespmem:v60+s28+$0x0], $0xffff;
	v36 =	vadd.s32 v44, v1  }
0x1f5: {  	_ =	sdelay $0x3  }
0x1f6: {  	v3 =	vld.idx.msk [tilespmem:v35+s28+$0x0], $0xffff;
	_ =	sdelay $0x4  }
0x1f7: {  	v45 =	vld.idx.msk [tilespmem:v39+s28+$0x0], $0xffff;
	[tilespmem:$0x1FDC0] =	vst v3  }
0x1f8: {  	v3 =	vld.idx.msk [tilespmem:v37+s28+$0x0], $0xffff;
	_ =	sdelay $0x4  }
0x1f9: {  	[tilespmem:$0x1FDD0] =	vst v3  }
0x1fa: {  	v3 =	vld.idx.msk [tilespmem:v38+s28+$0x0], $0xffff;
	_ =	sdelay $0x4  }
0x1fb: {  	[tilespmem:$0x1FDE0] =	vst v3  }
0x1fc: {  	v3 =	vld.idx.msk [tilespmem:v36+s28+$0x0], $0xffff  }
0x1fd: {  	v1 =	vadd.s32 v27, v40;
	_ =	sdelay $0x3  }
0x1fe: {  	[tilespmem:$0x1FDF0] =	vst v3  }
0x1ff: {  	v2 =	vadd.s32 v23, v30;
	v1 =	vld.idx.msk [tilespmem:v1+s28+$0x0], $0xffff  }
0x200: {  	v2 =	vadd.s32 v24, v2;
	_ =	sdelay $0x1  }
0x201: {  	s5 =	sadd.s32 s15, s4  }
0x202: {  	p1 =	slt.s32 s5, $0xC34  }
0x203: {  	s5 =	simm.s32 @!p1 $0xC34;
	[tilespmem:$0x1FE00] =	vst v1  }
0x204: {  	s7 =	sshll.u32 s5, $0x8;
	v1 =	vld.idx.msk [tilespmem:v2+s28+$0x0], $0xffff  }
0x205: {  	s5 =	sshll.u32 s5, $0x9;
	s7 =	sadd.s32 s1, s7  }
0x206: {  	[tilespmem:s22], [sflag:$0x2] =	stream.linear.gather [hbm4b:s7+s6], $0x800, $0x38;
	[tilespmem:$0x1EA70] =	vst v63  }
0x207: {  	s5 =	sadd.s32 s2, s5  }
0x208: {  	[tilespmem:s23], [sflag:$0x2] =	stream.linear.gather [hbm4b:s5+s6], $0x1000, $0x38;
	[tilespmem:$0x1EA70] =	vst v63  }
0x209: {  	[tilespmem:$0x1FE10] =	vst v1  }
0x20a: {  	_ =	swait.ge [sflag:s31], $0x800  }
0x20b: {  	[sflag:s31] =	ssyncset.done $0x0  }
0x20c: {  	[sflag:s31] =	ssyncadd.s32 $0xFFFFF800  }
0x20d: {  	_ =	swait.ge [sflag:s31], $0x1000  }
0x20e: {  	[sflag:s31] =	ssyncset.done $0x0  }
0x20f: {  	s5 =	simm.s32 $0x19A00;
	[sflag:s31] =	ssyncadd.s32 $0xFFFFF000  }
0x210: {  	v5 =	vld [tilespmem:s5+$0x40];
	_ =	sdelay $0x4  }
0x211: {  	[tilespmem:$0x1FE20] =	vst v5  }
0x212: {  	v7 =	vld [tilespmem:s5+$0x50];
	_ =	sdelay $0x4  }
0x213: {  	[tilespmem:$0x1FE50] =	vst v7  }
0x214: {  	v8 =	vld [tilespmem:s5+$0x60];
	_ =	sdelay $0x4  }
0x215: {  	v27 =	vld [tilespmem:$0x1FF80];
	[tilespmem:$0x1FE60] =	vst v8  }
0x216: {  	v23 =	vld [tilespmem:s5+$0x20]  }
0x217: {  	s9 =	simm.s32 $0xE0;
	v42 =	vld [tilespmem:$0x1FFB0]  }
0x218: {  	v4 =	vmov s9;
	v61 =	vld [tilespmem:$0x1FFD0]  }
0x219: {  	v4 =	vshrl.u32 v4, $0x7;
	v49 =	vld [tilespmem:s5+$0x70]  }
0x21a: {  	s10 =	simm.s32 $0xF0;
	s11 =	simm.s32 $0xD0;
	v4 =	vshll.u32 v4, v0;
	v46 =	vld [tilespmem:s5+$0x0]  }
0x21b: {  	v4 =	vbroadcast v4, $0x0;
	v3 =	vmov s11;
	s11 =	simm.s32 $0x90;
	v1 =	vmov s10;
	v47 =	vld [tilespmem:s5+$0x10];
	[tilespmem:$0x1FE30] =	vst v23  }
0x21c: {  	v6 =	vmov s11;
	v3 =	vshrl.u32 v3, $0x7;
	v1 =	vshrl.u32 v1, $0x7;
	v24 =	vld [tilespmem:s5+$0x30]  }
0x21d: {  	v6 =	vshll.u32 v6, $0x1;
	v3 =	vshll.u32 v3, v0;
	v1 =	vshll.u32 v1, v0;
	v30 =	vld [tilespmem:$0x1FFC0]  }
0x21e: {  	s8 =	simm.s32 $0xC0;
	v3 =	vbroadcast v3, $0x0;
	v6 =	vand.u32 $0x7FFFFF00, v6;
	s10 =	simm.s32 $0x80;
	v1 =	vbroadcast v1, $0x0;
	v38 =	vld [tilespmem:$0x1FFE0]  }
0x21f: {  	v6 =	vbroadcast v6, $0x0;
	v2 =	vmov s8;
	s8 =	simm.s32 $0xA0;
	v59 =	vmov s10;
	v43 =	vld [tilespmem:$0x1FFF0]  }
0x220: {  	v60 =	vmov s8;
	v40 =	vld [tilespmem:$0x1FF90];
	v5 =	vshrl.u32 v59, $0x7;
	v23 =	vor.u32 v27, v1  }
0x221: {  	s9 =	simm.s32 $0xB0;
	v41 =	vld [tilespmem:$0x1FFA0];
	v51 =	vor.u32 v61, v3;
	v5 =	vshll.u32 v5, v0;
	v1 =	vor.u32 v42, v1;
	[tilespmem:$0x1FE40] =	vst v24  }
0x222: {  	v5 =	vbroadcast v5, $0x0;
	v7 =	vshll.u32 v60, $0x1;
	v8 =	vmov s9;
	v50 =	vld [tilespmem:s5+$0xFFFFFFC0]  }
0x223: {  	v52 =	vor.u32 v38, v4;
	v7 =	vand.u32 $0x7FFFFF00, v7;
	v8 =	vshll.u32 v8, $0x1;
	v48 =	vld [tilespmem:s5+$0xFFFFFFD0]  }
0x224: {  	s10 =	simm.s32 $0x40;
	v53 =	vor.u32 v10, v5;
	v7 =	vbroadcast v7, $0x0;
	v8 =	vand.u32 $0x7FFFFF00, v8;
	v44 =	vld [tilespmem:s5+$0xFFFFFFE0]  }
0x225: {  	s11 =	simm.s32 $0x0;
	v54 =	vor.u32 v12, v6;
	v55 =	vmov s10;
	v8 =	vbroadcast v8, $0x0;
	v37 =	vld.idx.msk [tilespmem:v23+s25+$0x0], $0xffff  }
0x226: {  	v57 =	vmov s11;
	v55 =	vshrl.u32 v55, $0x7;
	v56 =	vor.u32 v14, v7;
	v36 =	vld.idx.msk [tilespmem:v1+s25+$0x0], $0xffff  }
0x227: {  	v57 =	vshrl.u32 v57, $0x7;
	v55 =	vshll.u32 v55, v0;
	v58 =	vor.u32 v16, v8;
	v51 =	vld.idx.msk [tilespmem:v51+s25+$0x0], $0xffff  }
0x228: {  	v57 =	vshll.u32 v57, v0;
	v55 =	vbroadcast v55, $0x0;
	v3 =	vor.u32 v40, v3;
	v52 =	vld.idx.msk [tilespmem:v52+s25+$0x0], $0xffff  }
0x229: {  	v57 =	vbroadcast v57, $0x0;
	v2 =	vshrl.u32 v2, $0x7;
	v4 =	vor.u32 v41, v4;
	v53 =	vld.idx.msk [tilespmem:v53+s25+$0x0], $0xffff  }
0x22a: {  	v2 =	vshll.u32 v2, v0;
	v59 =	vor.u32 v30, v55;
	v54 =	vld.idx.msk [tilespmem:v54+s25+$0x0], $0xffff  }
0x22b: {  	v2 =	vbroadcast v2, $0x0;
	v60 =	vor.u32 v61, v57;
	v56 =	vld.idx.msk [tilespmem:v56+s25+$0x0], $0xffff  }
0x22c: {  	v61 =	vor.u32 v38, v57;
	v58 =	vld.idx.msk [tilespmem:v58+s25+$0x0], $0xffff  }
0x22d: {  	v62 =	vor.u32 v27, v57;
	v24 =	vor.u32 v30, v2;
	v30 =	vld.idx.msk [tilespmem:v3+s25+$0x0], $0xffff  }
0x22e: {  	v5 =	vor.u32 v9, v5;
	v27 =	vld.idx.msk [tilespmem:v4+s25+$0x0], $0xffff  }
0x22f: {  	v6 =	vor.u32 v11, v6;
	v59 =	vld.idx.msk [tilespmem:v59+s25+$0x0], $0xffff  }
0x230: {  	v7 =	vor.u32 v13, v7;
	v60 =	vld.idx.msk [tilespmem:v60+s25+$0x0], $0xffff  }
0x231: {  	v8 =	vor.u32 v15, v8;
	v61 =	vld.idx.msk [tilespmem:v61+s25+$0x0], $0xffff  }
0x232: {  	v63 =	vor.u32 v10, v57;
	v62 =	vld.idx.msk [tilespmem:v62+s25+$0x0], $0xffff  }
0x233: {  	v55 =	vor.u32 v43, v55;
	v38 =	vld.idx.msk [tilespmem:v5+s25+$0x0], $0xffff  }
0x234: {  	v39 =	vld.idx.msk [tilespmem:v6+s25+$0x0], $0xffff  }
0x235: {  	v7 =	vld.idx.msk [tilespmem:v7+s25+$0x0], $0xffff  }
0x236: {  	v2 =	vor.u32 v43, v2;
	v43 =	vld.idx.msk [tilespmem:v8+s25+$0x0], $0xffff  }
0x237: {  	v33 =	vmul.f32 v33, v21;
	v63 =	vld.idx.msk [tilespmem:v63+s25+$0x0], $0xffff  }
0x238: {  	v23 =	vor.u32 v16, v57;
	v55 =	vld.idx.msk [tilespmem:v55+s25+$0x0], $0xffff  }
0x239: {  	v17 =	vadd.f32 v33, v17;
	v1 =	vor.u32 v12, v57;
	v33 =	vld [tilespmem:s5+$0xFFFFFFA0]  }
0x23a: {  	v5 =	vor.u32 v40, v57;
	v4 =	vor.u32 v9, v57;
	v9 =	vld [tilespmem:$0x1FDC0]  }
0x23b: {  	v6 =	vor.u32 v41, v57;
	v24 =	vld.idx.msk [tilespmem:v24+s25+$0x0], $0xffff  }
0x23c: {  	v35 =	vld.idx.msk [tilespmem:v2+s25+$0x0], $0xffff;
	v2 =	vor.u32 v14, v57  }
0x23d: {  	v3 =	vor.u32 v42, v57;
	v42 =	vld.idx.msk [tilespmem:v23+s25+$0x0], $0xffff;
	v23 =	vor.u32 v15, v57  }
0x23e: {  	v8 =	vld.idx.msk [tilespmem:v1+s25+$0x0], $0xffff  }
0x23f: {  	v5 =	vld.idx.msk [tilespmem:v5+s25+$0x0], $0xffff  }
0x240: {  	v6 =	vld.idx.msk [tilespmem:v6+s25+$0x0], $0xffff  }
0x241: {  	v41 =	vld.idx.msk [tilespmem:v2+s25+$0x0], $0xffff  }
0x242: {  	v1 =	vor.u32 v13, v57;
	v2 =	vor.u32 v11, v57;
	v57 =	vld.idx.msk [tilespmem:v23+s25+$0x0], $0xffff  }
0x243: {  	v23 =	vld.idx.msk [tilespmem:v52+s6+$0x0], $0xffff  }
0x244: {  	v52 =	vld.idx.msk [tilespmem:v53+s6+$0x0], $0xffff  }
0x245: {  	v53 =	vld.idx.msk [tilespmem:v54+s6+$0x0], $0xffff  }
0x246: {  	v54 =	vld.idx.msk [tilespmem:v56+s6+$0x0], $0xffff  }
0x247: {  	v56 =	vld.idx.msk [tilespmem:v58+s6+$0x0], $0xffff  }
0x248: {  	v58 =	vld.idx.msk [tilespmem:v30+s6+$0x0], $0xffff;
	v30 =	vmul.f32 v32, v21  }
0x249: {  	v40 =	vld.idx.msk [tilespmem:v3+s25+$0x0], $0xffff  }
0x24a: {  	v4 =	vld.idx.msk [tilespmem:v4+s25+$0x0], $0xffff;
	v20 =	vadd.f32 v30, v20;
	v30 =	vmul.f32 v34, v21  }
0x24b: {  	v37 =	vld.idx.msk [tilespmem:v37+s6+$0x0], $0xffff  }
0x24c: {  	v31 =	vmul.f32 v31, v21;
	v18 =	vadd.f32 v30, v18;
	v30 =	vmul.f32 v9, v21;
	v9 =	vld [tilespmem:$0x1FDD0]  }
0x24d: {  	v36 =	vld.idx.msk [tilespmem:v36+s6+$0x0], $0xffff  }
0x24e: {  	v17 =	vadd.f32 v31, v17;
	v31 =	vld.idx.msk [tilespmem:v60+s6+$0x0], $0xffff  }
0x24f: {  	v29 =	vmul.f32 v29, v21;
	v7 =	vld.idx.msk [tilespmem:v7+s6+$0x0], $0xffff  }
0x250: {  	v3 =	vld.idx.msk [tilespmem:v1+s25+$0x0], $0xffff  }
0x251: {  	v20 =	vadd.f32 v29, v20;
	v29 =	vmul.f32 v9, v21;
	v9 =	vld [tilespmem:$0x1FDE0]  }
0x252: {  	v32 =	vld [tilespmem:s5+$0xFFFFFFF0];
	v34 =	vmul.f32 v45, v21  }
0x253: {  	v1 =	vld.idx.msk [tilespmem:v24+s6+$0x0], $0xffff  }
0x254: {  	v24 =	vld.idx.msk [tilespmem:v51+s6+$0x0], $0xffff;
	v19 =	vadd.f32 v34, v19  }
0x255: {  	v35 =	vld.idx.msk [tilespmem:v35+s6+$0x0], $0xffff  }
0x256: {  	v19 =	vadd.f32 v29, v19;
	v29 =	vmul.f32 v9, v21;
	v9 =	vld [tilespmem:$0x1FDF0]  }
0x257: {  	v2 =	vld.idx.msk [tilespmem:v2+s25+$0x0], $0xffff  }
0x258: {  	v51 =	vld.idx.msk [tilespmem:v27+s6+$0x0], $0xffff  }
0x259: {  	v27 =	vld.idx.msk [tilespmem:v59+s6+$0x0], $0xffff  }
0x25a: {  	v59 =	vld [tilespmem:s5+$0xFFFFFF80]  }
0x25b: {  	v60 =	vmul.f32 v9, v21;
	v9 =	vld [tilespmem:$0x1FE00]  }
0x25c: {  	v45 =	vld [tilespmem:s5+$0xFFFFFF90]  }
0x25d: {  	v26 =	vmul.f32 v26, v21;
	v5 =	vld.idx.msk [tilespmem:v5+s6+$0x0], $0xffff  }
0x25e: {  	v28 =	vmul.f32 v28, v21;
	v4 =	vld.idx.msk [tilespmem:v4+s6+$0x0], $0xffff;
	v18 =	vadd.f32 v30, v18  }
0x25f: {  	v20 =	vadd.f32 v26, v20;
	v2 =	vld.idx.msk [tilespmem:v2+s6+$0x0], $0xffff  }
0x260: {  	v26 =	vadd.f32 v28, v17;
	v28 =	vadd.f32 v29, v18;
	v18 =	vmul.f32 v9, v21;
	v9 =	vld [tilespmem:$0x1FE10]  }
0x261: {  	v8 =	vld.idx.msk [tilespmem:v8+s6+$0x0], $0xffff  }
0x262: {  	v30 =	vld.idx.msk [tilespmem:v61+s6+$0x0], $0xffff  }
0x263: {  	v61 =	vld.idx.msk [tilespmem:v62+s6+$0x0], $0xffff;
	v17 =	vmul.f32 v25, v21  }
0x264: {  	v22 =	vmul.f32 v22, v21;
	v36 =	vmul.u32 $0x3, v36;
	v25 =	vld.idx.msk [tilespmem:v38+s6+$0x0], $0xffff;
	v29 =	vadd.f32 v60, v19  }
0x265: {  	v17 =	vadd.f32 v17, v20;
	v2 =	vmul.u32 $0x3, v2;
	v19 =	vmul.f32 v9, v21;
	v9 =	vld [tilespmem:$0x1FE20]  }
0x266: {  	v62 =	vld.idx.msk [tilespmem:v39+s6+$0x0], $0xffff;
	v20 =	vadd.f32 v22, v29;
	v29 =	vmul.u32 $0x9, v47;
	v47 =	vmul.u32 $0x9, v50  }
0x267: {  	v50 =	vmul.u32 $0x9, v45;
	v18 =	vadd.f32 v18, v26;
	v26 =	vmul.u32 $0x9, v49;
	v21 =	vld.idx.msk [tilespmem:v55+s6+$0x0], $0xffff  }
0x268: {  	v6 =	vld.idx.msk [tilespmem:v6+s6+$0x0], $0xffff;
	v35 =	vmul.u32 $0x3, v35;
	v5 =	vmul.u32 $0x3, v5  }
0x269: {  	v34 =	vld [tilespmem:s5+$0xFFFFFFB0];
	v25 =	vmul.u32 $0x3, v25;
	v2 =	vadd.s32 v50, v2;
	v22 =	vadd.s32 v26, v36  }
0x26a: {  	v3 =	vld.idx.msk [tilespmem:v3+s6+$0x0], $0xffff;
	v19 =	vadd.f32 v19, v28;
	v28 =	vmul.u32 $0x9, v46;
	v26 =	vmul.u32 $0x9, v9  }
0x26b: {  	v38 =	vmul.u32 $0x3, v62;
	v49 =	vmul.u32 $0x9, v59;
	v59 =	vld.idx.msk [tilespmem:v43+s6+$0x0], $0xffff;
	v2 =	vadd.s32 v8, v2  }
0x26c: {  	v25 =	vadd.s32 v28, v25;
	v28 =	vld.idx.msk [tilespmem:v57+s6+$0x0], $0xffff;
	v21 =	vmul.u32 $0x3, v21;
	v26 =	vadd.s32 v26, v35  }
0x26d: {  	v46 =	vld.idx.msk [tilespmem:v63+s6+$0x0], $0xffff;
	v1 =	vadd.s32 v1, v26;
	v26 =	vadd.s32 v29, v38;
	v29 =	vmul.u32 $0x9, v48  }
0x26e: {  	v33 =	vmul.u32 $0x9, v33;
	v4 =	vmul.u32 $0x3, v4;
	v57 =	vld.idx.msk [tilespmem:v40+s6+$0x0], $0xffff  }
0x26f: {  	v3 =	vmul.u32 $0x3, v3;
	v21 =	vadd.s32 v47, v21;
	v5 =	vadd.s32 v29, v5;
	v29 =	vld.idx.msk [tilespmem:v42+s6+$0x0], $0xffff  }
0x270: {  	v6 =	vmul.u32 $0x3, v6;
	v34 =	vmul.u32 $0x9, v34;
	v21 =	vadd.s32 v27, v21;
	v27 =	vld.idx.msk [tilespmem:v41+s6+$0x0], $0xffff  }
0x271: {  	v3 =	vadd.s32 v33, v3;
	v60 =	vmul.u32 $0x9, v32;
	v33 =	vld.idx.msk [tilespmem:v2+s28+$0x0], $0xffff;
	v28 =	vmul.u32 $0x3, v28  }
0x272: {  	v22 =	vadd.s32 v37, v22;
	v2 =	vld [tilespmem:$0x1FE60];
	v55 =	vadd.s32 v53, v26;
	v26 =	vmul.u32 $0x9, v44  }
0x273: {  	v4 =	vadd.s32 v49, v4;
	v52 =	vadd.s32 v52, v25;
	v9 =	vld [tilespmem:$0x1FE40];
	v8 =	vadd.s32 v34, v28  }
0x274: {  	v6 =	vadd.s32 v26, v6;
	v26 =	vld.idx.msk [tilespmem:v1+s28+$0x0], $0xffff;
	v37 =	vadd.s32 v29, v8;
	v8 =	vmul.u32 $0x3, v57  }
0x275: {  	v4 =	vadd.s32 v46, v4;
	v1 =	vadd.s32 v27, v3;
	v3 =	vld [tilespmem:$0x1FE30]  }
0x276: {  	v34 =	vadd.s32 v30, v6;
	v6 =	vadd.s32 v60, v8;
	v8 =	vld [tilespmem:$0x1FE50]  }
0x277: {  	v25 =	vld.idx.msk [tilespmem:v22+s28+$0x0], $0xffff;
	v5 =	vadd.s32 v31, v5  }
0x278: {  	v28 =	vld.idx.msk [tilespmem:v52+s28+$0x0], $0xffff  }
0x279: {  	p1 =	slt.u32 s4, s16;
	s7 =	simm.f32 $1.000000000e+00;
	v7 =	vmul.u32 $0x3, v7;
	v22 =	vmul.u32 $0x9, v9;
	v29 =	vld.idx.msk [tilespmem:v21+s28+$0x0], $0xffff;
	v21 =	vmul.u32 $0x3, v59  }
0x27a: {  	s7 =	simm.s32 @!p1 $0x0;
	v39 =	vmul.u32 $0x3, v51;
	v62 =	vmul.u32 $0x3, v58;
	v32 =	vld.idx.msk [tilespmem:v4+s28+$0x0], $0xffff;
	v3 =	vmul.u32 $0x9, v3  }
0x27b: {  	v31 =	vld.idx.msk [tilespmem:v55+s28+$0x0], $0xffff;
	v63 =	vadd.s32 v22, v21;
	v21 =	vmov s7;
	v8 =	vmul.u32 $0x9, v8  }
0x27c: {  	v30 =	vld.idx.msk [tilespmem:v5+s28+$0x0], $0xffff;
	v22 =	vmul.u32 $0x9, v2;
	v36 =	vadd.s32 v61, v6;
	v3 =	vadd.s32 v3, v7  }
0x27d: {  	s8 =	simm.s32 $0x1F0;
	s7 =	simm.s32 $0x0;
	v35 =	vadd.s32 v56, v63;
	v27 =	vld.idx.msk [tilespmem:v1+s28+$0x0], $0xffff;
	v38 =	vadd.s32 v54, v3;
	v40 =	vadd.s32 v8, v62  }
.LBB2_7:
0x27e: {  	_ =	sdelay $0x1  }
0x27f: {  	v2 =	vld.idx.msk [tilespmem:v37+s28+$0x0], $0xffff  }
0x280: {  	v6 =	vld.idx.msk [tilespmem:v34+s28+$0x0], $0xffff  }
0x281: {  	v8 =	vld.idx.msk [tilespmem:v36+s28+$0x0], $0xffff  }
0x282: {  	v35 =	vld.idx.msk [tilespmem:v35+s28+$0x0], $0xffff  }
0x283: {  	v9 =	vld [tilespmem:$0x1FF80]  }
0x284: {  	v59 =	vld [tilespmem:$0x1FFB0]  }
0x285: {  	v1 =	vmov s8;
	s5 =	sadd.s32 $0x100, s5;
	v60 =	vld [tilespmem:$0x1FFF0]  }
0x286: {  	s9 =	sadd.s32 $0xFFFFFFD0, s8;
	v3 =	vadd.s32 v24, v40;
	s10 =	sadd.s32 $0xFFFFFFE0, s8;
	v24 =	vmul.f32 v25, v21;
	v4 =	vadd.s32 v22, v39;
	v22 =	vld [tilespmem:s5+$0x40]  }
0x287: {  	s11 =	sadd.s32 $0xFFFFFFF0, s8;
	v5 =	vmov s9;
	v1 =	vshrl.u32 v1, $0x7;
	v7 =	vmov s10;
	v34 =	vld [tilespmem:s5+$0xFFFFFFE0]  }
0x288: {  	s10 =	sadd.s32 $0xFFFFFF90, s8;
	v47 =	vmov s11;
	s11 =	sadd.s32 $0xFFFFFFA0, s8;
	v36 =	vld [tilespmem:s5+$0xFFFFFF80];
	v4 =	vadd.s32 v23, v4;
	v23 =	vmul.f32 v26, v21  }
0x289: {  	v37 =	vld [tilespmem:s5+$0xFFFFFF90];
	v49 =	vmov s10;
	v50 =	vmov s11;
	v1 =	vshll.u32 v1, v0  }
0x28a: {  	v39 =	vld [tilespmem:s5+$0xFFFFFFB0];
	s10 =	sadd.s32 $0xFFFFFFB0, s8;
	v25 =	vmul.f32 v32, v21;
	v52 =	vshrl.u32 v47, $0x7;
	v1 =	vbroadcast v1, $0x0  }
0x28b: {  	v32 =	vld [tilespmem:s5+$0xFFFFFFC0];
	v51 =	vmov s10;
	v48 =	vmul.f32 v28, v21;
	v31 =	vmul.f32 v31, v21  }
0x28c: {  	v53 =	vshrl.u32 v49, $0x7;
	v49 =	vld [tilespmem:$0x1FFC0];
	v29 =	vmul.f32 v29, v21;
	v30 =	vmul.f32 v30, v21  }
0x28d: {  	v54 =	vshll.u32 v50, $0x1;
	v50 =	vld [tilespmem:$0x1FFD0];
	v26 =	vmul.f32 v33, v21;
	v27 =	vmul.f32 v27, v21  }
0x28e: {  	s10 =	sadd.s32 $0xFFFFFF50, s8;
	v28 =	vld.idx.msk [tilespmem:v38+s28+$0x0], $0xffff;
	v17 =	vadd.f32 v25, v17;
	v55 =	vshll.u32 v51, $0x1;
	v2 =	vmul.f32 v2, v21  }
0x28f: {  	v25 =	vld [tilespmem:s5+$0x50];
	v44 =	vmov s10;
	v6 =	vmul.f32 v6, v21;
	v8 =	vmul.f32 v8, v21  }
0x290: {  	v3 =	vld.idx.msk [tilespmem:v3+s28+$0x0], $0xffff;
	v44 =	vshrl.u32 v44, $0x7;
	v18 =	vadd.f32 v26, v18;
	v19 =	vadd.f32 v27, v19  }
0x291: {  	v33 =	vld [tilespmem:s5+$0xFFFFFFD0];
	v17 =	vadd.f32 v29, v17;
	v44 =	vshll.u32 v44, v0;
	v2 =	vadd.f32 v2, v20  }
0x292: {  	v4 =	vld.idx.msk [tilespmem:v4+s28+$0x0], $0xffff;
	v44 =	vbroadcast v44, $0x0;
	v18 =	vadd.f32 v30, v18;
	v6 =	vadd.f32 v6, v19  }
0x293: {  	v38 =	vld [tilespmem:s5+$0xFFFFFFA0];
	v17 =	vadd.f32 v48, v17;
	v20 =	vmul.f32 v28, v21;
	v2 =	vadd.f32 v8, v2  }
0x294: {  	v51 =	vld [tilespmem:$0x1FFE0];
	v8 =	vmul.f32 v35, v21;
	v61 =	vor.u32 v49, v44;
	v44 =	vor.u32 v60, v44  }
0x295: {  	v26 =	vld [tilespmem:s5+$0x60];
	v18 =	vadd.f32 v31, v18;
	v3 =	vmul.f32 v3, v21;
	v17 =	vadd.f32 v23, v17  }
0x296: {  	s11 =	sadd.s32 $0xFFFFFFC0, s8;
	v27 =	vld [tilespmem:s5+$0x70];
	v23 =	vor.u32 v9, v1;
	v1 =	vor.u32 v59, v1;
	v6 =	vadd.f32 v20, v6  }
0x297: {  	v29 =	vld [tilespmem:s5+$0x10];
	v2 =	vadd.f32 v8, v2;
	v8 =	vmov s11;
	v4 =	vmul.f32 v4, v21  }
0x298: {  	v30 =	vld [tilespmem:s5+$0x20];
	s11 =	sadd.s32 $0xFFFFFF10, s8;
	v18 =	vadd.f32 v3, v18;
	v3 =	vshrl.u32 v7, $0x7;
	v8 =	vshll.u32 v8, $0x1  }
0x299: {  	v28 =	vld [tilespmem:s5+$0x0];
	v7 =	vand.u32 $0x7FFFFF00, v55;
	v46 =	vmov s11;
	v20 =	vadd.f32 v24, v2  }
0x29a: {  	v35 =	vld [tilespmem:s5+$0xFFFFFFF0];
	v2 =	vshrl.u32 v5, $0x7;
	v3 =	vshll.u32 v3, v0;
	v7 =	vbroadcast v7, $0x0  }
0x29b: {  	v31 =	vld [tilespmem:s5+$0x30];
	v5 =	vshll.u32 v53, v0;
	v58 =	vshrl.u32 v46, $0x7;
	v19 =	vadd.f32 v4, v6  }
0x29c: {  	v3 =	vbroadcast v3, $0x0;
	v40 =	vshll.u32 v58, v0;
	v58 =	vld [tilespmem:$0x1FFA0];
	v45 =	vor.u32 v14, v7  }
0x29d: {  	v4 =	vshll.u32 v52, v0;
	v5 =	vbroadcast v5, $0x0;
	v52 =	vld.idx.msk [tilespmem:v61+s25+$0x0], $0xffff;
	v7 =	vor.u32 v13, v7  }
0x29e: {  	v8 =	vand.u32 $0x7FFFFF00, v8;
	v44 =	vld.idx.msk [tilespmem:v44+s25+$0x0], $0xffff;
	v57 =	vor.u32 v50, v3  }
0x29f: {  	v8 =	vbroadcast v8, $0x0;
	v23 =	vld.idx.msk [tilespmem:v23+s25+$0x0], $0xffff;
	v42 =	vor.u32 v10, v5  }
0x2a0: {  	v2 =	vshll.u32 v2, v0;
	v1 =	vld.idx.msk [tilespmem:v1+s25+$0x0], $0xffff  }
0x2a1: {  	v2 =	vbroadcast v2, $0x0;
	v47 =	vor.u32 v16, v8;
	v45 =	vld.idx.msk [tilespmem:v45+s25+$0x0], $0xffff  }
0x2a2: {  	v6 =	vand.u32 $0x7FFFFF00, v54;
	v4 =	vbroadcast v4, $0x0;
	v8 =	vor.u32 v15, v8;
	v7 =	vld.idx.msk [tilespmem:v7+s25+$0x0], $0xffff  }
0x2a3: {  	v6 =	vbroadcast v6, $0x0;
	v24 =	vor.u32 v49, v2;
	v48 =	vld.idx.msk [tilespmem:v57+s25+$0x0], $0xffff  }
0x2a4: {  	v41 =	vor.u32 v51, v4;
	v42 =	vld.idx.msk [tilespmem:v42+s25+$0x0], $0xffff  }
0x2a5: {  	v46 =	vbroadcast v40, $0x0;
	v43 =	vor.u32 v12, v6;
	v57 =	vld [tilespmem:$0x1FF90]  }
0x2a6: {  	v2 =	vor.u32 v60, v2;
	v47 =	vld.idx.msk [tilespmem:v47+s25+$0x0], $0xffff  }
0x2a7: {  	v62 =	vor.u32 v50, v46;
	v40 =	vld.idx.msk [tilespmem:v8+s25+$0x0], $0xffff  }
0x2a8: {  	v63 =	vor.u32 v51, v46;
	v24 =	vld.idx.msk [tilespmem:v24+s25+$0x0], $0xffff  }
0x2a9: {  	v56 =	vor.u32 v9, v46;
	v41 =	vld.idx.msk [tilespmem:v41+s25+$0x0], $0xffff  }
0x2aa: {  	v6 =	vor.u32 v11, v6;
	v43 =	vld.idx.msk [tilespmem:v43+s25+$0x0], $0xffff  }
0x2ab: {  	v53 =	vor.u32 v10, v46;
	v2 =	vld.idx.msk [tilespmem:v2+s25+$0x0], $0xffff  }
0x2ac: {  	v54 =	vor.u32 v12, v46;
	v49 =	vld.idx.msk [tilespmem:v62+s25+$0x0], $0xffff  }
0x2ad: {  	v55 =	vor.u32 v14, v46;
	v50 =	vld.idx.msk [tilespmem:v63+s25+$0x0], $0xffff  }
0x2ae: {  	v60 =	vor.u32 v11, v46;
	v51 =	vld.idx.msk [tilespmem:v56+s25+$0x0], $0xffff  }
0x2af: {  	v9 =	vlaneseq.u32;
	v61 =	vor.u32 v13, v46;
	v6 =	vld.idx.msk [tilespmem:v6+s25+$0x0], $0xffff  }
0x2b0: {  	v5 =	vor.u32 v9, v5;
	v8 =	vld.idx.msk [tilespmem:v53+s25+$0x0], $0xffff  }
0x2b1: {  	v54 =	vld.idx.msk [tilespmem:v54+s25+$0x0], $0xffff  }
0x2b2: {  	v55 =	vld.idx.msk [tilespmem:v55+s25+$0x0], $0xffff  }
0x2b3: {  	v4 =	vor.u32 v58, v4;
	v60 =	vld.idx.msk [tilespmem:v60+s25+$0x0], $0xffff  }
0x2b4: {  	v56 =	vor.u32 v16, v46;
	v61 =	vld.idx.msk [tilespmem:v61+s25+$0x0], $0xffff  }
0x2b5: {  	v5 =	vld.idx.msk [tilespmem:v5+s25+$0x0], $0xffff  }
0x2b6: {  	v62 =	vld.idx.msk [tilespmem:v23+s6+$0x0], $0xffff  }
0x2b7: {  	v1 =	vld.idx.msk [tilespmem:v1+s6+$0x0], $0xffff  }
0x2b8: {  	v4 =	vld.idx.msk [tilespmem:v4+s25+$0x0], $0xffff  }
0x2b9: {  	v56 =	vld.idx.msk [tilespmem:v56+s25+$0x0], $0xffff  }
0x2ba: {  	v7 =	vld.idx.msk [tilespmem:v7+s6+$0x0], $0xffff  }
0x2bb: {  	v63 =	vld.idx.msk [tilespmem:v24+s6+$0x0], $0xffff  }
0x2bc: {  	v24 =	vld.idx.msk [tilespmem:v48+s6+$0x0], $0xffff  }
0x2bd: {  	v23 =	vld.idx.msk [tilespmem:v41+s6+$0x0], $0xffff  }
0x2be: {  	v41 =	vld.idx.msk [tilespmem:v42+s6+$0x0], $0xffff  }
0x2bf: {  	v42 =	vld.idx.msk [tilespmem:v43+s6+$0x0], $0xffff  }
0x2c0: {  	v43 =	vld.idx.msk [tilespmem:v45+s6+$0x0], $0xffff  }
0x2c1: {  	v45 =	vld.idx.msk [tilespmem:v47+s6+$0x0], $0xffff  }
0x2c2: {  	v2 =	vld.idx.msk [tilespmem:v2+s6+$0x0], $0xffff  }
0x2c3: {  	v47 =	vld.idx.msk [tilespmem:v52+s6+$0x0], $0xffff  }
0x2c4: {  	v48 =	vld.idx.msk [tilespmem:v49+s6+$0x0], $0xffff  }
0x2c5: {  	v49 =	vld.idx.msk [tilespmem:v50+s6+$0x0], $0xffff  }
0x2c6: {  	v50 =	vld.idx.msk [tilespmem:v51+s6+$0x0], $0xffff  }
0x2c7: {  	v6 =	vld.idx.msk [tilespmem:v6+s6+$0x0], $0xffff  }
0x2c8: {  	v8 =	vld.idx.msk [tilespmem:v8+s6+$0x0], $0xffff  }
0x2c9: {  	v3 =	vor.u32 v57, v3;
	v53 =	vor.u32 v57, v46;
	v51 =	vld.idx.msk [tilespmem:v54+s6+$0x0], $0xffff  }
0x2ca: {  	v57 =	vor.u32 v58, v46;
	v58 =	vor.u32 v59, v46;
	v59 =	vor.u32 v9, v46;
	v55 =	vld.idx.msk [tilespmem:v55+s6+$0x0], $0xffff  }
0x2cb: {  	v52 =	vmul.u32 $0x9, v22;
	v22 =	vmul.u32 $0x9, v26;
	v26 =	vmul.u32 $0x9, v27;
	v27 =	vld.idx.msk [tilespmem:v44+s6+$0x0], $0xffff  }
0x2cc: {  	v60 =	vld.idx.msk [tilespmem:v60+s6+$0x0], $0xffff  }
0x2cd: {  	v46 =	vor.u32 v15, v46;
	v61 =	vld.idx.msk [tilespmem:v61+s6+$0x0], $0xffff  }
0x2ce: {  	v53 =	vld.idx.msk [tilespmem:v53+s25+$0x0], $0xffff  }
0x2cf: {  	v59 =	vld.idx.msk [tilespmem:v59+s25+$0x0], $0xffff  }
0x2d0: {  	v3 =	vld.idx.msk [tilespmem:v3+s25+$0x0], $0xffff  }
0x2d1: {  	v57 =	vld.idx.msk [tilespmem:v57+s25+$0x0], $0xffff  }
0x2d2: {  	v46 =	vld.idx.msk [tilespmem:v46+s25+$0x0], $0xffff  }
0x2d3: {  	v37 =	vmul.u32 $0x9, v37;
	v5 =	vld.idx.msk [tilespmem:v5+s6+$0x0], $0xffff  }
0x2d4: {  	v39 =	vmul.u32 $0x9, v39;
	v38 =	vmul.u32 $0x9, v38;
	v9 =	vmul.u32 $0x9, v31;
	v58 =	vld.idx.msk [tilespmem:v58+s25+$0x0], $0xffff  }
0x2d5: {  	v31 =	vmul.u32 $0x9, v33;
	v1 =	vmul.u32 $0x3, v1;
	v54 =	vmul.u32 $0x9, v25;
	v4 =	vld.idx.msk [tilespmem:v4+s6+$0x0], $0xffff  }
0x2d6: {  	v25 =	vmul.u32 $0x9, v28;
	v28 =	vmul.u32 $0x9, v29;
	v44 =	vmul.u32 $0x9, v30;
	v30 =	vld.idx.msk [tilespmem:v53+s6+$0x0], $0xffff  }
0x2d7: {  	v29 =	vmul.u32 $0x9, v32;
	v32 =	vmul.u32 $0x9, v34;
	v2 =	vmul.u32 $0x3, v2;
	v33 =	vld.idx.msk [tilespmem:v59+s6+$0x0], $0xffff  }
0x2d8: {  	v1 =	vadd.s32 v26, v1;
	v6 =	vmul.u32 $0x3, v6;
	v56 =	vld.idx.msk [tilespmem:v56+s6+$0x0], $0xffff;
	v5 =	vmul.u32 $0x3, v5  }
0x2d9: {  	v1 =	vadd.s32 v62, v1;
	v27 =	vmul.u32 $0x3, v27;
	v2 =	vadd.s32 v52, v2;
	v3 =	vld.idx.msk [tilespmem:v3+s6+$0x0], $0xffff  }
0x2da: {  	v6 =	vadd.s32 v28, v6;
	v5 =	vadd.s32 v25, v5;
	v2 =	vadd.s32 v63, v2;
	v26 =	vld.idx.msk [tilespmem:v46+s6+$0x0], $0xffff  }
0x2db: {  	v27 =	vadd.s32 v29, v27;
	v52 =	vld.idx.msk [tilespmem:v57+s6+$0x0], $0xffff;
	v5 =	vadd.s32 v41, v5;
	v25 =	vmul.u32 $0x3, v30  }
0x2dc: {  	v6 =	vadd.s32 v42, v6;
	v59 =	vmul.u32 $0x9, v36;
	v57 =	vld.idx.msk [tilespmem:v40+s6+$0x0], $0xffff;
	v28 =	vmul.u32 $0x3, v33  }
0x2dd: {  	v29 =	vmul.u32 $0x3, v60;
	v27 =	vadd.s32 v47, v27;
	v30 =	vld.idx.msk [tilespmem:v58+s6+$0x0], $0xffff;
	v25 =	vadd.s32 v31, v25  }
0x2de: {  	v28 =	vadd.s32 v59, v28;
	v31 =	vmul.u32 $0x3, v61;
	v58 =	vadd.s32 v48, v25;
	v25 =	vld.idx.msk [tilespmem:v1+s28+$0x0], $0xffff  }
0x2df: {  	v1 =	vadd.s32 v8, v28;
	v8 =	vadd.s32 v37, v29;
	v29 =	vmul.u32 $0x3, v26;
	v26 =	vld.idx.msk [tilespmem:v2+s28+$0x0], $0xffff  }
0x2e0: {  	s7 =	sadd.s32 $0x4, s7;
	v59 =	vmul.u32 $0x3, v52;
	v28 =	vld.idx.msk [tilespmem:v5+s28+$0x0], $0xffff;
	v2 =	vadd.s32 v51, v8;
	v8 =	vadd.s32 v38, v31  }
0x2e1: {  	p1 =	slt.u32 s7, $0x1C;
	v35 =	vmul.u32 $0x9, v35;
	v7 =	vmul.u32 $0x3, v7;
	v31 =	vld.idx.msk [tilespmem:v6+s28+$0x0], $0xffff;
	v60 =	vadd.s32 v55, v8  }
.Ltmp2:
0x2e2: {  	v3 =	vmul.u32 $0x3, v3;
	v62 =	vadd.s32 v32, v59;
	v8 =	vadd.s32 v39, v29;
	v29 =	vld.idx.msk [tilespmem:v27+s28+$0x0], $0xffff;
	(pc) =	sbr.rel @p1 .LBB2_7-.Ltmp2, $4  }
0x2e3: {  	v61 =	vmul.u32 $0x3, v30;
	v37 =	vadd.s32 v56, v8;
	v8 =	vmul.u32 $0x3, v57;
	v30 =	vld.idx.msk [tilespmem:v58+s28+$0x0], $0xffff  }
0x2e4: {  	v40 =	vadd.s32 v54, v3;
	v34 =	vadd.s32 v49, v62;
	v32 =	vld.idx.msk [tilespmem:v1+s28+$0x0], $0xffff;
	v1 =	vadd.s32 v44, v7  }
0x2e5: {  	v63 =	vadd.s32 v35, v61;
	v33 =	vld.idx.msk [tilespmem:v2+s28+$0x0], $0xffff;
	v38 =	vadd.s32 v43, v1;
	v1 =	vadd.s32 v9, v8  }
0x2e6: {  	s8 =	sadd.s32 $0x100, s8;
	v39 =	vmul.u32 $0x3, v4;
	v36 =	vadd.s32 v50, v63;
	v27 =	vld.idx.msk [tilespmem:v60+s28+$0x0], $0xffff;
	v35 =	vadd.s32 v45, v1  }
0x2e7: {  	_ =	sdelay $0x3  }
0x2e8: {  	v1 =	vld.idx.msk [tilespmem:v37+s28+$0x0], $0xffff  }
0x2e9: {  	v2 =	vadd.s32 v24, v40;
	v3 =	vadd.s32 v22, v39  }
0x2ea: {  	v5 =	vmul.f32 v26, v21;
	v7 =	vld.idx.msk [tilespmem:v36+s28+$0x0], $0xffff;
	v3 =	vadd.s32 v23, v3  }
0x2eb: {  	v4 =	vld.idx.msk [tilespmem:v34+s28+$0x0], $0xffff;
	v8 =	vmul.f32 v28, v21;
	v9 =	vmul.f32 v31, v21  }
0x2ec: {  	v61 =	vld.idx.msk [tilespmem:v35+s28+$0x0], $0xffff;
	v60 =	vmul.f32 v30, v21;
	v62 =	vmul.f32 v32, v21  }
0x2ed: {  	v22 =	vld.idx.msk [tilespmem:v38+s28+$0x0], $0xffff;
	v63 =	vmul.f32 v33, v21;
	v1 =	vmul.f32 v1, v21  }
0x2ee: {  	v23 =	vmul.f32 v29, v21;
	v27 =	vmul.f32 v27, v21;
	v17 =	vadd.f32 v62, v17;
	v2 =	vld.idx.msk [tilespmem:v2+s28+$0x0], $0xffff  }
0x2ef: {  	v18 =	vadd.f32 v63, v18;
	v7 =	vmul.f32 v7, v21;
	v3 =	vld.idx.msk [tilespmem:v3+s28+$0x0], $0xffff;
	v1 =	vadd.f32 v1, v20  }
0x2f0: {  	v4 =	vmul.f32 v4, v21;
	v19 =	vadd.f32 v27, v19;
	v17 =	vadd.f32 v23, v17  }
0x2f1: {  	v18 =	vadd.f32 v60, v18;
	v1 =	vadd.f32 v7, v1;
	v7 =	vmul.f32 v61, v21  }
0x2f2: {  	s4 =	sadd.s32 s17, s4;
	v20 =	vmul.f32 v22, v21;
	v4 =	vadd.f32 v4, v19;
	v8 =	vadd.f32 v8, v17;
	v17 =	vld [tilespmem:$0x1FF80]  }
0x2f3: {  	s3 =	sadd.s32 $0x1, s3;
	p1 =	slt.s32 s4, $0xC34;
	v9 =	vadd.f32 v9, v18;
	v2 =	vmul.f32 v2, v21;
	v1 =	vadd.f32 v7, v1;
	v7 =	vld [tilespmem:$0x1FFB0]  }
0x2f4: {  	v6 =	vmul.f32 v25, v21;
	s4 =	simm.s32 @!p1 $0xC34;
	p1 =	sne.s32 s3, $0x21;
	v3 =	vmul.f32 v3, v21;
	v21 =	vadd.f32 v5, v8;
	v8 =	vld [tilespmem:$0x1FFF0]  }
.Ltmp3:
0x2f5: {  	s5 =	sshll.u32 s4, $0x8;
	v4 =	vadd.f32 v20, v4;
	v20 =	vadd.f32 v2, v9;
	v2 =	vld [tilespmem:$0x1FFC0];
	(pc) =	sbr.rel @p1 .LBB2_2-.Ltmp3, $4  }
0x2f6: {  	s4 =	sshll.u32 s4, $0x9;
	s5 =	sadd.s32 s1, s5;
	v5 =	vld [tilespmem:$0x1FFA0]  }
0x2f7: {  	[tilespmem:s24], [sflag:$0x3] =	stream.linear.gather [hbm4b:s5+s6], $0x800, $0x38;
	v1 =	vadd.f32 v6, v1;
	v6 =	vld [tilespmem:$0x1FFE0]  }
0x2f8: {  	s4 =	sadd.s32 s2, s4;
	v18 =	vadd.f32 v3, v4;
	v3 =	vld [tilespmem:$0x1FF90]  }
0x2f9: {  	[tilespmem:s25], [sflag:$0x3] =	stream.linear.gather [hbm4b:s4+s6], $0x1000, $0x38;
	v9 =	vlaneseq.u32;
	v4 =	vld [tilespmem:$0x1FFD0]  }
0x2fa: {  	_ =	swait.ge [sflag:s29], $0x800  }
0x2fb: {  	[sflag:s29] =	ssyncset.done $0x0  }
0x2fc: {  	[sflag:s29] =	ssyncadd.s32 $0xFFFFF800  }
0x2fd: {  	_ =	swait.ge [sflag:s29], $0x1000  }
0x2fe: {  	[sflag:s29] =	ssyncset.done $0x0  }
0x2ff: {  	[sflag:s29] =	ssyncadd.s32 $0xFFFFF000  }
0x300: {  	_ =	swait.ge [sflag:s30], $0x800  }
0x301: {  	[sflag:s30] =	ssyncset.done $0x0  }
0x302: {  	[sflag:s30] =	ssyncadd.s32 $0xFFFFF800  }
0x303: {  	_ =	swait.ge [sflag:s30], $0x1000  }
0x304: {  	[sflag:s30] =	ssyncset.done $0x0  }
0x305: {  	[sflag:s30] =	ssyncadd.s32 $0xFFFFF000  }
0x306: {  	v19 =	vmov v1;
	v1 =	vadd.f32 v20, v21;
	_ =	swait.ge [sflag:s31], $0x800  }
0x307: {  	[sflag:s31] =	ssyncset.done $0x0  }
0x308: {  	v1 =	vadd.f32 v18, v1;
	[sflag:s31] =	ssyncadd.s32 $0xFFFFF800  }
0x309: {  	_ =	swait.ge [sflag:s31], $0x1000  }
0x30a: {  	s0 =	sadd.s32 $0x1, s0;
	v1 =	vadd.f32 v19, v1;
	[sflag:s31] =	ssyncset.done $0x0  }
0x30b: {  	p1 =	sne.s32 s0, s19;
	[sflag:s31] =	ssyncadd.s32 $0xFFFFF000  }
.Ltmp4:
0x30c: {  	s3 =	simm.s32 $0x1D180;
	[tilespmem:$0x1D180] =	vst v1;
	(pc) =	sbr.rel @p1 .LBB2_1-.Ltmp4, $4  }
0x30d: {  	[hbm4b:s18+s6] =	stream.linear.scatter [tilespmem:s3], [sflag:$0x4], $0x80, $0x38;
	[tilespmem:$0x1EA70] =	vst v63  }
0x30e: {  	_ =	swait.ge [sflag:s26], $0x80  }
0x30f: {  	[sflag:s26] =	ssyncset.done $0x0  }
0x310: {  	[sflag:s26] =	ssyncadd.s32 $0xFFFFFF80  }
0x311: {  	_ =	sfence.sel $0x180000  }
0x312: {  	[bflag:$0x0] =	sbarrier.arrive $0xFFFF  }
0x313: {  	_ =	strace $0x90000047  }
0x314: {  	[bflag:$0x2] =	sbarrier.arrive $0xFFFF  }
0x315: {  	s0 =	rddreg [dreg:$0x5]  }
0x316: {  	s0 =	sadd.s32 @!p0 $0x100000, s0  }
0x317: {  	[sflag:s0] =	ssyncadd.tile.s32 @!p0 $0x1;
	_ =	shalt  }
.Lfunc_end2:
_tile_overlayer_lowered:
.L_overlay_start_2:
0x318: {  	(tag) =	ssettag $0x2  }
0x319: {  	s0 =	rddreg [dreg:$0x0];
	s2 =	stileid.u32  }
0x31a: {  	s1 =	rddreg [dreg:$0x1];
	p0 =	sne.s32 s2, $0x0  }
0x31b: {  	s3 =	rddreg [dreg:$0x2];
	[bflag:$0x3] =	sbarrier.arrive $0xFFFF;
	s2 =	simm.s32 @!p0 $0x1C04  }
0x31c: {  	[timem:s3], [sflag:s2] =	dma.local @!p0 [hbm:s0], s1  }
0x31d: {  	s0 =	simm.s32 @!p0 $0x4  }
0x31e: {  	_ =	swait.ge @!p0 [sflag:s0], s1  }
0x31f: {  	s1 =	ssub.s32 @!p0 $0x0, s1;
	[sflag:s0] =	ssyncset.done @!p0 $0x0  }
0x320: {  	[sflag:s0] =	ssyncadd.s32 @!p0 s1  }
0x321: {  	[bflag:$0x3] =	sbarrier.arrive $0xFFFF  }
0x322: {  	_ =	shalt  }

</sc_bundles>
